<compile_context>
chip_gen: v7x
topology: tpu7x:2x2x1
jax: 0.10.2.dev20260603
libtpu: 0.0.44.dev20260713+nightly
codegen_flags: <defaults>
</compile_context>

<pallas_src>
import functools

import jax
import jax.numpy as jnp
from jax import lax
from jax.experimental import pallas as pl
from jax.experimental.pallas import tpu as pltpu
from jax.experimental.pallas import tpu_sc as plsc

N = 10000
E = 320000
D = 128
WD = 144

NC = 2
NS = 16
C = 128
EPT = 20224
EPAD = EPT * NS
CHUNKS = EPT // C
TOTCH = 2 * EPAD // C
NPAD = 10112
RPT = NPAD // NS
PADROW = 10048

BLK = 400


_PIECES = []
_off = 0
while _off < RPT:
    _PIECES.append((_off, min(C, RPT - _off)))
    _off += C


def _seg_body(table, sd, z2d,
              sums_out,
              sdb, sdb2, rows_v, rows_w, acc, sem, sem2):
    c = lax.axis_index("c")
    s = lax.axis_index("s")
    row0 = s * RPT
    pltpu.sync_copy(z2d, rows_v)
    for off, sz in _PIECES:
        pltpu.sync_copy(rows_v.at[pl.ds(0, sz)], acc.at[pl.ds(row0 + off, sz)])
    plsc.subcore_barrier()

    tc0 = c * (TOTCH // 2) + s * CHUNKS

    def chunk(i, carry):
        pltpu.sync_copy(sd.at[tc0 + i], sdb)
        pltpu.async_copy(table.at[sdb.at[0]], rows_v, sem).wait()
        return carry

    lax.fori_loop(0, CHUNKS, chunk, 0)
    plsc.subcore_barrier()
    for off, sz in _PIECES:
        pltpu.sync_copy(acc.at[pl.ds(row0 + off, sz)], rows_v.at[pl.ds(0, sz)])
        pltpu.sync_copy(rows_v.at[pl.ds(0, sz)],
                        sums_out.at[c, pl.ds(row0 + off, sz)])


@functools.lru_cache(maxsize=None)
def _get_seg_kernel():
    return pl.kernel(
        _seg_body,
        out_type=jax.ShapeDtypeStruct((NC, NPAD, WD), jnp.bfloat16),
        mesh=plsc.VectorSubcoreMesh(core_axis_name="c", subcore_axis_name="s",
                                    num_cores=NC, num_subcores=NS),
        scratch_types=(
            pltpu.VMEM((2, C), jnp.int32),
            pltpu.VMEM((2, C), jnp.int32),
            pltpu.VMEM((C, WD), jnp.bfloat16),
            pltpu.VMEM((C, WD), jnp.float32),
            pltpu.VMEM_SHARED((NPAD, WD), jnp.bfloat16),
            pltpu.SemaphoreType.DMA,
            pltpu.SemaphoreType.DMA,
        ),
        compiler_params=pltpu.CompilerParams(use_tc_tiling_on_sc=False),
    )


def _dotT(a, w):
    return lax.dot_general(a, w, (((1,), (1,)), ((), ())),
                           preferred_element_type=jnp.float32)


def _layer0_body(x_ref, sums_ref,
                 wl_i, bl_i, wr_i, wl_r, bl_r, wr_r, out_ref):
    x_b = x_ref[...]
    ones = jnp.ones((BLK, 1), jnp.float32)
    zeros = jnp.zeros((BLK, WD - D - 1), jnp.float32)
    for r, (wl, bl, wr) in enumerate(((wl_i, bl_i, wr_i), (wl_r, bl_r, wr_r))):
        blk = sums_ref[r].astype(jnp.float32)
        cnt = jnp.maximum(blk[:, D:D + 1], 1.0)
        mean = blk[:, 0:D] / cnt
        h = _dotT(mean, wl[...]) + bl[...] + _dotT(x_b, wr[...])
        h = jnp.maximum(h, 0.0)
        out_ref[r] = jnp.concatenate([h, ones, zeros], axis=1)


def _layer1_body(h_ref, sums_ref,
                 wl_i, bl_i, wr_i, wl_r, bl_r, wr_r, att_ref, out_ref):
    a = att_ref[...]
    e = jnp.exp(a - jnp.max(a))
    w = e / jnp.sum(e)
    outs = []
    for r, (wl, bl, wr) in enumerate(((wl_i, bl_i, wr_i), (wl_r, bl_r, wr_r))):
        blk = sums_ref[r].astype(jnp.float32)
        cnt = jnp.maximum(blk[:, D:D + 1], 1.0)
        mean = blk[:, 0:D] / cnt
        outs.append(_dotT(mean, wl[...]) + bl[...]
                    + _dotT(h_ref[r][:, 0:D], wr[...]))
    comb = w[0:1, 0:1] * outs[0] + w[0:1, 1:2] * outs[1]
    nrm = jnp.sqrt(jnp.sum(comb * comb, axis=1, keepdims=True))
    out_ref[...] = comb / jnp.maximum(nrm, 1e-12)


def _full_spec(shape):
    return pl.BlockSpec(shape, lambda i: tuple(0 for _ in shape))


def _tc_layer0(x, sums, wl_i, bl_i, wr_i, wl_r, bl_r, wr_r):
    return pl.pallas_call(
        _layer0_body,
        grid=(N // BLK,),
        in_specs=[
            pl.BlockSpec((BLK, D), lambda i: (i, 0)),
            pl.BlockSpec((2, BLK, WD), lambda i: (0, i, 0)),
            _full_spec((D, D)), _full_spec((1, D)), _full_spec((D, D)),
            _full_spec((D, D)), _full_spec((1, D)), _full_spec((D, D)),
        ],
        out_specs=pl.BlockSpec((2, BLK, WD), lambda i: (0, i, 0)),
        out_shape=jax.ShapeDtypeStruct((2, N, WD), jnp.float32),
    )(x, sums, wl_i, bl_i, wr_i, wl_r, bl_r, wr_r)


def _tc_layer1(h, sums, wl_i, bl_i, wr_i, wl_r, bl_r, wr_r, att):
    return pl.pallas_call(
        _layer1_body,
        grid=(N // BLK,),
        in_specs=[
            pl.BlockSpec((2, BLK, WD), lambda i: (0, i, 0)),
            pl.BlockSpec((2, BLK, WD), lambda i: (0, i, 0)),
            _full_spec((D, D)), _full_spec((1, D)), _full_spec((D, D)),
            _full_spec((D, D)), _full_spec((1, D)), _full_spec((D, D)),
            _full_spec((1, 2)),
        ],
        out_specs=pl.BlockSpec((BLK, D), lambda i: (i, 0)),
        out_shape=jax.ShapeDtypeStruct((N, D), jnp.float32),
    )(h, sums, wl_i, bl_i, wr_i, wl_r, bl_r, wr_r, att)


def kernel(x, edge_index_imports, edge_index_references,
           Wl0_imports, bl0_imports, Wr0_imports,
           Wl1_imports, bl1_imports, Wr1_imports,
           Wl0_references, bl0_references, Wr0_references,
           Wl1_references, bl1_references, Wr1_references,
           edge_type_attention):
    src_i, dst_i = edge_index_imports[0], edge_index_imports[1]
    src_r, dst_r = edge_index_references[0], edge_index_references[1]
    pad = EPAD - E

    def padv(a, v):
        return jnp.concatenate([a, jnp.full((pad,), v, jnp.int32)])

    dch = jnp.concatenate([padv(dst_i, PADROW),
                           padv(dst_r, PADROW)]).reshape(TOTCH, C)

    def pack(src_flat):
        return jnp.stack([src_flat.reshape(TOTCH, C), dch], axis=1)

    sd0 = pack(jnp.concatenate([padv(src_i, 0), padv(src_r, 0)]))
    sd1 = pack(jnp.concatenate([padv(src_i, 0), padv(src_r + N, 0)]))
    z2d = jnp.zeros((C, WD), jnp.bfloat16)

    t0 = jnp.concatenate(
        [x, jnp.ones((N, 1), jnp.float32),
         jnp.zeros((N, WD - D - 1), jnp.float32)],
        axis=1).astype(jnp.bfloat16)

    seg = _get_seg_kernel()
    sums0 = seg(t0, sd0, z2d)
    h = _tc_layer0(x, sums0,
                   Wl0_imports, bl0_imports.reshape(1, D), Wr0_imports,
                   Wl0_references, bl0_references.reshape(1, D),
                   Wr0_references)
    sums1 = seg(h.reshape(2 * N, WD).astype(jnp.bfloat16), sd1, z2d)
    return _tc_layer1(h, sums1,
                      Wl1_imports, bl1_imports.reshape(1, D), Wr1_imports,
                      Wl1_references, bl1_references.reshape(1, D),
                      Wr1_references,
                      edge_type_attention.reshape(1, 2))

# --- scband reference (transcript-rebuilt; emitter-appended) ---
"""Pipeline reference for scband-multi-relational-graph-sage-9904194584994 (READ-ONLY COPY).

The authoritative reference and input builder live on the scoring server;
editing this copy changes nothing except your own understanding.
"""

import jax, jax.numpy as jnp
import numpy as np

N = 10000
E = 320000
D_IN = 128
D_H = 128
D_OUT = 128

def _glorot(key, shape):
    lim = float(np.sqrt(6.0 / (shape[0] + shape[1])))
    return jax.random.uniform(key, shape, minval=-lim, maxval=lim, dtype=jnp.float32)

def setup_inputs(seed: int = 0):
    key = jax.random.key(seed)
    ks = jax.random.split(key, 16)
    inp = {}
    inp["x"] = jax.random.normal(ks[0], (N, D_IN), dtype=jnp.float32)
    inp["edge_index_imports"] = jax.random.randint(ks[1], (2, E), 0, N, dtype=jnp.int32)
    inp["edge_index_references"] = jax.random.randint(ks[2], (2, E), 0, N, dtype=jnp.int32)
    inp["Wl0_imports"] = _glorot(ks[3], (D_H, D_IN))
    inp["bl0_imports"] = jnp.zeros((D_H,), dtype=jnp.float32)
    inp["Wr0_imports"] = _glorot(ks[4], (D_H, D_IN))
    inp["Wl1_imports"] = _glorot(ks[5], (D_OUT, D_H))
    inp["bl1_imports"] = jnp.zeros((D_OUT,), dtype=jnp.float32)
    inp["Wr1_imports"] = _glorot(ks[6], (D_OUT, D_H))
    inp["Wl0_references"] = _glorot(ks[7], (D_H, D_IN))
    inp["bl0_references"] = jnp.zeros((D_H,), dtype=jnp.float32)
    inp["Wr0_references"] = _glorot(ks[8], (D_H, D_IN))
    inp["Wl1_references"] = _glorot(ks[9], (D_OUT, D_H))
    inp["bl1_references"] = jnp.zeros((D_OUT,), dtype=jnp.float32)
    inp["Wr1_references"] = _glorot(ks[10], (D_OUT, D_H))
    inp["edge_type_attention"] = jnp.ones((2,), dtype=jnp.float32)
    return inp

def _sage_conv(x, src, dst, Wl, bl, Wr):
    # PyG SAGEConv(aggr='mean'): out = lin_l(mean_{j in N(i)} x_j) + lin_r(x_i)
    msgs = jnp.take(x, src, axis=0)
    s = jax.ops.segment_sum(msgs, dst, num_segments=N)
    cnt = jax.ops.segment_sum(jnp.ones((src.shape[0], 1), x.dtype), dst, num_segments=N)
    mean = s / jnp.maximum(cnt, 1.0)
    return mean @ Wl.T + bl + x @ Wr.T

def _branch(x, ei, Wl0, bl0, Wr0, Wl1, bl1, Wr1):
    h = _sage_conv(x, ei[0], ei[1], Wl0, bl0, Wr0)
    h = jax.nn.relu(h)  # dropout p=0.0 -> identity
    h = _sage_conv(h, ei[0], ei[1], Wl1, bl1, Wr1)
    return h

def reference(x, edge_index_imports, edge_index_references, Wl0_imports, bl0_imports, Wr0_imports, Wl1_imports, bl1_imports, Wr1_imports, Wl0_references, bl0_references, Wr0_references, Wl1_references, bl1_references, Wr1_references, edge_type_attention):
    h_imp = _branch(x, edge_index_imports, Wl0_imports, bl0_imports, Wr0_imports, Wl1_imports, bl1_imports, Wr1_imports)
    h_ref = _branch(x, edge_index_references, Wl0_references, bl0_references, Wr0_references, Wl1_references, bl1_references, Wr1_references)
    w = jax.nn.softmax(edge_type_attention)
    combined = w[0] * h_imp + w[1] * h_ref
    norm = jnp.linalg.norm(combined, axis=1, keepdims=True)
    return combined / jnp.maximum(norm, 1e-12)

if __name__ == "__main__":
    import jax
    _d = setup_inputs()
    print(jax.jit(kernel)(*tuple(_d.values())))

</pallas_src>

<mosaic_0001>
#map = affine_map<(d0, d1) -> (0, 0)>
#map1 = affine_map<(d0, d1) -> (0, 0, 0)>
module attributes {stable_mosaic.version = 14 : i64} {
  func.func @_seg_body(%arg0: i32, %arg1: i32, %arg2: memref<10000x144xbf16, #tpu.memory_space<hbm>>, %arg3: memref<5056x2x128xi32, #tpu.memory_space<hbm>>, %arg4: memref<128x144xbf16, #tpu.memory_space<hbm>>, %arg5: memref<2x10112x144xbf16, #tpu.memory_space<hbm>>, %arg6: memref<2x128xi32, #tpu.memory_space<vmem>>, %arg7: memref<2x128xi32, #tpu.memory_space<vmem>>, %arg8: memref<128x144xbf16, #tpu.memory_space<vmem>>, %arg9: memref<128x144xf32, #tpu.memory_space<vmem>>, %arg10: memref<10112x144xbf16, #tpu.memory_space<vmem_shared>>, %arg11: memref<!tpu.dma_semaphore, #tpu.memory_space<semaphore_mem>>, %arg12: memref<!tpu.dma_semaphore, #tpu.memory_space<semaphore_mem>>) attributes {dimension_semantics = [#tpu.dimension_semantics<core_parallel>, #tpu.dimension_semantics<subcore_parallel>], iteration_bounds = array<i64: 2, 16>, scalar_prefetch = 0 : i64, scratch_operands = 7 : i64, tpu.core_type = #tpu.core_type<sc_vector_subcore>, window_params = [{transform_indices = #map}, {transform_indices = #map1}, {transform_indices = #map}, {transform_indices = #map1}]} {
    %mul3A = arith.constant 632 : i32
    %mul3A_0 = arith.muli %arg1, %mul3A : i32
    "tpu.region"() ({
      %run_scoped3A = tpu.sem_alloc : memref<!tpu.dma_semaphore, #tpu.memory_space<semaphore_mem>>
      tpu.enqueue_dma source(%arg4 : memref<128x144xbf16, #tpu.memory_space<hbm>>) target(%arg8 : memref<128x144xbf16, #tpu.memory_space<vmem>>) target_semaphore(%run_scoped3A : memref<!tpu.dma_semaphore, #tpu.memory_space<semaphore_mem>>)
      tpu.wait_dma2 semaphore(%run_scoped3A : memref<!tpu.dma_semaphore, #tpu.memory_space<semaphore_mem>>) src(%arg4 : memref<128x144xbf16, #tpu.memory_space<hbm>>) dst(%arg8 : memref<128x144xbf16, #tpu.memory_space<vmem>>)
      tpu.yield
    }) : () -> ()
    %add3A = arith.constant 0 : i32
    %add3A_1 = arith.addi %mul3A_0, %add3A : i32
    "tpu.region"() ({
      %run_scoped3A = tpu.sem_alloc : memref<!tpu.dma_semaphore, #tpu.memory_space<semaphore_mem>>
      %dma_start3A = arith.constant 0 : i32
      %dma_start3A_41 = arith.constant 0 : i32
      %dma_start3A_42 = tpu.memref_slice %arg8[%dma_start3A, %dma_start3A_41] : memref<128x144xbf16, #tpu.memory_space<vmem>> -> memref<128x144xbf16, #tpu.memory_space<vmem>>
      %dma_start3A_43 = arith.constant 0 : i32
      %dma_start3A_44 = tpu.memref_slice %arg10[%add3A_1, %dma_start3A_43] : memref<10112x144xbf16, #tpu.memory_space<vmem_shared>> -> memref<128x144xbf16, #tpu.memory_space<vmem_shared>>
      %dma_start3A_45 = arith.constant 0 : i32
      %dma_start3A_46 = tpu.memref_slice %arg10[%add3A_1, %dma_start3A_45] : memref<10112x144xbf16, #tpu.memory_space<vmem_shared>> -> memref<128x144xbf16, #tpu.memory_space<vmem_shared>>
      %dma_start3A_47 = arith.constant 0 : i32
      %dma_start3A_48 = arith.constant 0 : i32
      %dma_start3A_49 = tpu.memref_slice %arg8[%dma_start3A_47, %dma_start3A_48] : memref<128x144xbf16, #tpu.memory_space<vmem>> -> memref<128x144xbf16, #tpu.memory_space<vmem>>
      tpu.enqueue_dma source(%dma_start3A_49 : memref<128x144xbf16, #tpu.memory_space<vmem>>) target(%dma_start3A_46 : memref<128x144xbf16, #tpu.memory_space<vmem_shared>>) target_semaphore(%run_scoped3A : memref<!tpu.dma_semaphore, #tpu.memory_space<semaphore_mem>>)
      %dma_wait3A = arith.constant 0 : i32
      %dma_wait3A_50 = arith.constant 0 : i32
      %dma_wait3A_51 = tpu.memref_slice %arg8[%dma_wait3A, %dma_wait3A_50] : memref<128x144xbf16, #tpu.memory_space<vmem>> -> memref<128x144xbf16, #tpu.memory_space<vmem>>
      %dma_wait3A_52 = arith.constant 0 : i32
      %dma_wait3A_53 = tpu.memref_slice %arg10[%add3A_1, %dma_wait3A_52] : memref<10112x144xbf16, #tpu.memory_space<vmem_shared>> -> memref<128x144xbf16, #tpu.memory_space<vmem_shared>>
      %dma_wait3A_54 = arith.constant 0 : i32
      %dma_wait3A_55 = tpu.memref_slice %arg10[%add3A_1, %dma_wait3A_54] : memref<10112x144xbf16, #tpu.memory_space<vmem_shared>> -> memref<128x144xbf16, #tpu.memory_space<vmem_shared>>
      %dma_wait3A_56 = arith.constant 0 : i32
      %dma_wait3A_57 = arith.constant 0 : i32
      %dma_wait3A_58 = tpu.memref_slice %arg8[%dma_wait3A_56, %dma_wait3A_57] : memref<128x144xbf16, #tpu.memory_space<vmem>> -> memref<128x144xbf16, #tpu.memory_space<vmem>>
      tpu.wait_dma2 semaphore(%run_scoped3A : memref<!tpu.dma_semaphore, #tpu.memory_space<semaphore_mem>>) src(%dma_wait3A_58 : memref<128x144xbf16, #tpu.memory_space<vmem>>) dst(%dma_wait3A_55 : memref<128x144xbf16, #tpu.memory_space<vmem_shared>>)
      tpu.yield
    }) : () -> ()
    %add3A_2 = arith.constant 128 : i32
    %add3A_3 = arith.addi %mul3A_0, %add3A_2 : i32
    "tpu.region"() ({
      %run_scoped3A = tpu.sem_alloc : memref<!tpu.dma_semaphore, #tpu.memory_space<semaphore_mem>>
      %dma_start3A = arith.constant 0 : i32
      %dma_start3A_41 = arith.constant 0 : i32
      %dma_start3A_42 = tpu.memref_slice %arg8[%dma_start3A, %dma_start3A_41] : memref<128x144xbf16, #tpu.memory_space<vmem>> -> memref<128x144xbf16, #tpu.memory_space<vmem>>
      %dma_start3A_43 = arith.constant 0 : i32
      %dma_start3A_44 = tpu.memref_slice %arg10[%add3A_3, %dma_start3A_43] : memref<10112x144xbf16, #tpu.memory_space<vmem_shared>> -> memref<128x144xbf16, #tpu.memory_space<vmem_shared>>
      %dma_start3A_45 = arith.constant 0 : i32
      %dma_start3A_46 = tpu.memref_slice %arg10[%add3A_3, %dma_start3A_45] : memref<10112x144xbf16, #tpu.memory_space<vmem_shared>> -> memref<128x144xbf16, #tpu.memory_space<vmem_shared>>
      %dma_start3A_47 = arith.constant 0 : i32
      %dma_start3A_48 = arith.constant 0 : i32
      %dma_start3A_49 = tpu.memref_slice %arg8[%dma_start3A_47, %dma_start3A_48] : memref<128x144xbf16, #tpu.memory_space<vmem>> -> memref<128x144xbf16, #tpu.memory_space<vmem>>
      tpu.enqueue_dma source(%dma_start3A_49 : memref<128x144xbf16, #tpu.memory_space<vmem>>) target(%dma_start3A_46 : memref<128x144xbf16, #tpu.memory_space<vmem_shared>>) target_semaphore(%run_scoped3A : memref<!tpu.dma_semaphore, #tpu.memory_space<semaphore_mem>>)
      %dma_wait3A = arith.constant 0 : i32
      %dma_wait3A_50 = arith.constant 0 : i32
      %dma_wait3A_51 = tpu.memref_slice %arg8[%dma_wait3A, %dma_wait3A_50] : memref<128x144xbf16, #tpu.memory_space<vmem>> -> memref<128x144xbf16, #tpu.memory_space<vmem>>
      %dma_wait3A_52 = arith.constant 0 : i32
      %dma_wait3A_53 = tpu.memref_slice %arg10[%add3A_3, %dma_wait3A_52] : memref<10112x144xbf16, #tpu.memory_space<vmem_shared>> -> memref<128x144xbf16, #tpu.memory_space<vmem_shared>>
      %dma_wait3A_54 = arith.constant 0 : i32
      %dma_wait3A_55 = tpu.memref_slice %arg10[%add3A_3, %dma_wait3A_54] : memref<10112x144xbf16, #tpu.memory_space<vmem_shared>> -> memref<128x144xbf16, #tpu.memory_space<vmem_shared>>
      %dma_wait3A_56 = arith.constant 0 : i32
      %dma_wait3A_57 = arith.constant 0 : i32
      %dma_wait3A_58 = tpu.memref_slice %arg8[%dma_wait3A_56, %dma_wait3A_57] : memref<128x144xbf16, #tpu.memory_space<vmem>> -> memref<128x144xbf16, #tpu.memory_space<vmem>>
      tpu.wait_dma2 semaphore(%run_scoped3A : memref<!tpu.dma_semaphore, #tpu.memory_space<semaphore_mem>>) src(%dma_wait3A_58 : memref<128x144xbf16, #tpu.memory_space<vmem>>) dst(%dma_wait3A_55 : memref<128x144xbf16, #tpu.memory_space<vmem_shared>>)
      tpu.yield
    }) : () -> ()
    %add3A_4 = arith.constant 256 : i32
    %add3A_5 = arith.addi %mul3A_0, %add3A_4 : i32
    "tpu.region"() ({
      %run_scoped3A = tpu.sem_alloc : memref<!tpu.dma_semaphore, #tpu.memory_space<semaphore_mem>>
      %dma_start3A = arith.constant 0 : i32
      %dma_start3A_41 = arith.constant 0 : i32
      %dma_start3A_42 = tpu.memref_slice %arg8[%dma_start3A, %dma_start3A_41] : memref<128x144xbf16, #tpu.memory_space<vmem>> -> memref<128x144xbf16, #tpu.memory_space<vmem>>
      %dma_start3A_43 = arith.constant 0 : i32
      %dma_start3A_44 = tpu.memref_slice %arg10[%add3A_5, %dma_start3A_43] : memref<10112x144xbf16, #tpu.memory_space<vmem_shared>> -> memref<128x144xbf16, #tpu.memory_space<vmem_shared>>
      %dma_start3A_45 = arith.constant 0 : i32
      %dma_start3A_46 = tpu.memref_slice %arg10[%add3A_5, %dma_start3A_45] : memref<10112x144xbf16, #tpu.memory_space<vmem_shared>> -> memref<128x144xbf16, #tpu.memory_space<vmem_shared>>
      %dma_start3A_47 = arith.constant 0 : i32
      %dma_start3A_48 = arith.constant 0 : i32
      %dma_start3A_49 = tpu.memref_slice %arg8[%dma_start3A_47, %dma_start3A_48] : memref<128x144xbf16, #tpu.memory_space<vmem>> -> memref<128x144xbf16, #tpu.memory_space<vmem>>
      tpu.enqueue_dma source(%dma_start3A_49 : memref<128x144xbf16, #tpu.memory_space<vmem>>) target(%dma_start3A_46 : memref<128x144xbf16, #tpu.memory_space<vmem_shared>>) target_semaphore(%run_scoped3A : memref<!tpu.dma_semaphore, #tpu.memory_space<semaphore_mem>>)
      %dma_wait3A = arith.constant 0 : i32
      %dma_wait3A_50 = arith.constant 0 : i32
      %dma_wait3A_51 = tpu.memref_slice %arg8[%dma_wait3A, %dma_wait3A_50] : memref<128x144xbf16, #tpu.memory_space<vmem>> -> memref<128x144xbf16, #tpu.memory_space<vmem>>
      %dma_wait3A_52 = arith.constant 0 : i32
      %dma_wait3A_53 = tpu.memref_slice %arg10[%add3A_5, %dma_wait3A_52] : memref<10112x144xbf16, #tpu.memory_space<vmem_shared>> -> memref<128x144xbf16, #tpu.memory_space<vmem_shared>>
      %dma_wait3A_54 = arith.constant 0 : i32
      %dma_wait3A_55 = tpu.memref_slice %arg10[%add3A_5, %dma_wait3A_54] : memref<10112x144xbf16, #tpu.memory_space<vmem_shared>> -> memref<128x144xbf16, #tpu.memory_space<vmem_shared>>
      %dma_wait3A_56 = arith.constant 0 : i32
      %dma_wait3A_57 = arith.constant 0 : i32
      %dma_wait3A_58 = tpu.memref_slice %arg8[%dma_wait3A_56, %dma_wait3A_57] : memref<128x144xbf16, #tpu.memory_space<vmem>> -> memref<128x144xbf16, #tpu.memory_space<vmem>>
      tpu.wait_dma2 semaphore(%run_scoped3A : memref<!tpu.dma_semaphore, #tpu.memory_space<semaphore_mem>>) src(%dma_wait3A_58 : memref<128x144xbf16, #tpu.memory_space<vmem>>) dst(%dma_wait3A_55 : memref<128x144xbf16, #tpu.memory_space<vmem_shared>>)
      tpu.yield
    }) : () -> ()
    %add3A_6 = arith.constant 384 : i32
    %add3A_7 = arith.addi %mul3A_0, %add3A_6 : i32
    "tpu.region"() ({
      %run_scoped3A = tpu.sem_alloc : memref<!tpu.dma_semaphore, #tpu.memory_space<semaphore_mem>>
      %dma_start3A = arith.constant 0 : i32
      %dma_start3A_41 = arith.constant 0 : i32
      %dma_start3A_42 = tpu.memref_slice %arg8[%dma_start3A, %dma_start3A_41] : memref<128x144xbf16, #tpu.memory_space<vmem>> -> memref<128x144xbf16, #tpu.memory_space<vmem>>
      %dma_start3A_43 = arith.constant 0 : i32
      %dma_start3A_44 = tpu.memref_slice %arg10[%add3A_7, %dma_start3A_43] : memref<10112x144xbf16, #tpu.memory_space<vmem_shared>> -> memref<128x144xbf16, #tpu.memory_space<vmem_shared>>
      %dma_start3A_45 = arith.constant 0 : i32
      %dma_start3A_46 = tpu.memref_slice %arg10[%add3A_7, %dma_start3A_45] : memref<10112x144xbf16, #tpu.memory_space<vmem_shared>> -> memref<128x144xbf16, #tpu.memory_space<vmem_shared>>
      %dma_start3A_47 = arith.constant 0 : i32
      %dma_start3A_48 = arith.constant 0 : i32
      %dma_start3A_49 = tpu.memref_slice %arg8[%dma_start3A_47, %dma_start3A_48] : memref<128x144xbf16, #tpu.memory_space<vmem>> -> memref<128x144xbf16, #tpu.memory_space<vmem>>
      tpu.enqueue_dma source(%dma_start3A_49 : memref<128x144xbf16, #tpu.memory_space<vmem>>) target(%dma_start3A_46 : memref<128x144xbf16, #tpu.memory_space<vmem_shared>>) target_semaphore(%run_scoped3A : memref<!tpu.dma_semaphore, #tpu.memory_space<semaphore_mem>>)
      %dma_wait3A = arith.constant 0 : i32
      %dma_wait3A_50 = arith.constant 0 : i32
      %dma_wait3A_51 = tpu.memref_slice %arg8[%dma_wait3A, %dma_wait3A_50] : memref<128x144xbf16, #tpu.memory_space<vmem>> -> memref<128x144xbf16, #tpu.memory_space<vmem>>
      %dma_wait3A_52 = arith.constant 0 : i32
      %dma_wait3A_53 = tpu.memref_slice %arg10[%add3A_7, %dma_wait3A_52] : memref<10112x144xbf16, #tpu.memory_space<vmem_shared>> -> memref<128x144xbf16, #tpu.memory_space<vmem_shared>>
      %dma_wait3A_54 = arith.constant 0 : i32
      %dma_wait3A_55 = tpu.memref_slice %arg10[%add3A_7, %dma_wait3A_54] : memref<10112x144xbf16, #tpu.memory_space<vmem_shared>> -> memref<128x144xbf16, #tpu.memory_space<vmem_shared>>
      %dma_wait3A_56 = arith.constant 0 : i32
      %dma_wait3A_57 = arith.constant 0 : i32
      %dma_wait3A_58 = tpu.memref_slice %arg8[%dma_wait3A_56, %dma_wait3A_57] : memref<128x144xbf16, #tpu.memory_space<vmem>> -> memref<128x144xbf16, #tpu.memory_space<vmem>>
      tpu.wait_dma2 semaphore(%run_scoped3A : memref<!tpu.dma_semaphore, #tpu.memory_space<semaphore_mem>>) src(%dma_wait3A_58 : memref<128x144xbf16, #tpu.memory_space<vmem>>) dst(%dma_wait3A_55 : memref<128x144xbf16, #tpu.memory_space<vmem_shared>>)
      tpu.yield
    }) : () -> ()
    %add3A_8 = arith.constant 512 : i32
    %add3A_9 = arith.addi %mul3A_0, %add3A_8 : i32
    "tpu.region"() ({
      %run_scoped3A = tpu.sem_alloc : memref<!tpu.dma_semaphore, #tpu.memory_space<semaphore_mem>>
      %dma_start3A = arith.constant 0 : i32
      %dma_start3A_41 = arith.constant 0 : i32
      %dma_start3A_42 = tpu.memref_slice %arg8[%dma_start3A, %dma_start3A_41] : memref<128x144xbf16, #tpu.memory_space<vmem>> -> memref<120x144xbf16, #tpu.memory_space<vmem>>
      %dma_start3A_43 = arith.constant 0 : i32
      %dma_start3A_44 = tpu.memref_slice %arg10[%add3A_9, %dma_start3A_43] : memref<10112x144xbf16, #tpu.memory_space<vmem_shared>> -> memref<120x144xbf16, #tpu.memory_space<vmem_shared>>
      %dma_start3A_45 = arith.constant 0 : i32
      %dma_start3A_46 = tpu.memref_slice %arg10[%add3A_9, %dma_start3A_45] : memref<10112x144xbf16, #tpu.memory_space<vmem_shared>> -> memref<120x144xbf16, #tpu.memory_space<vmem_shared>>
      %dma_start3A_47 = arith.constant 0 : i32
      %dma_start3A_48 = arith.constant 0 : i32
      %dma_start3A_49 = tpu.memref_slice %arg8[%dma_start3A_47, %dma_start3A_48] : memref<128x144xbf16, #tpu.memory_space<vmem>> -> memref<120x144xbf16, #tpu.memory_space<vmem>>
      tpu.enqueue_dma source(%dma_start3A_49 : memref<120x144xbf16, #tpu.memory_space<vmem>>) target(%dma_start3A_46 : memref<120x144xbf16, #tpu.memory_space<vmem_shared>>) target_semaphore(%run_scoped3A : memref<!tpu.dma_semaphore, #tpu.memory_space<semaphore_mem>>)
      %dma_wait3A = arith.constant 0 : i32
      %dma_wait3A_50 = arith.constant 0 : i32
      %dma_wait3A_51 = tpu.memref_slice %arg8[%dma_wait3A, %dma_wait3A_50] : memref<128x144xbf16, #tpu.memory_space<vmem>> -> memref<120x144xbf16, #tpu.memory_space<vmem>>
      %dma_wait3A_52 = arith.constant 0 : i32
      %dma_wait3A_53 = tpu.memref_slice %arg10[%add3A_9, %dma_wait3A_52] : memref<10112x144xbf16, #tpu.memory_space<vmem_shared>> -> memref<120x144xbf16, #tpu.memory_space<vmem_shared>>
      %dma_wait3A_54 = arith.constant 0 : i32
      %dma_wait3A_55 = tpu.memref_slice %arg10[%add3A_9, %dma_wait3A_54] : memref<10112x144xbf16, #tpu.memory_space<vmem_shared>> -> memref<120x144xbf16, #tpu.memory_space<vmem_shared>>
      %dma_wait3A_56 = arith.constant 0 : i32
      %dma_wait3A_57 = arith.constant 0 : i32
      %dma_wait3A_58 = tpu.memref_slice %arg8[%dma_wait3A_56, %dma_wait3A_57] : memref<128x144xbf16, #tpu.memory_space<vmem>> -> memref<120x144xbf16, #tpu.memory_space<vmem>>
      tpu.wait_dma2 semaphore(%run_scoped3A : memref<!tpu.dma_semaphore, #tpu.memory_space<semaphore_mem>>) src(%dma_wait3A_58 : memref<120x144xbf16, #tpu.memory_space<vmem>>) dst(%dma_wait3A_55 : memref<120x144xbf16, #tpu.memory_space<vmem_shared>>)
      tpu.yield
    }) : () -> ()
    %barrier3A = arith.constant 0 : index
    tpu.barrier barrier_id(%barrier3A)
    %mul3A_10 = arith.constant 2528 : i32
    %mul3A_11 = arith.muli %arg0, %mul3A_10 : i32
    %mul3A_12 = arith.constant 158 : i32
    %mul3A_13 = arith.muli %arg1, %mul3A_12 : i32
    %add3A_14 = arith.addi %mul3A_11, %mul3A_13 : i32
    %scan3A = arith.constant 0 : i32
    %scan3A_15 = arith.constant 0 : i32
    %scan3A_16 = arith.constant 158 : i32
    %scan3A_17 = arith.addi %scan3A_15, %scan3A_16 : i32
    %scan3A_18 = arith.constant 1 : i32
    scf.for %scan3A_41 = %scan3A_15 to %scan3A_17 step %scan3A_18  : i32 {
      %add3A_42 = arith.addi %add3A_14, %scan3A_41 : i32
      "tpu.region"() ({
        %run_scoped3A = tpu.sem_alloc : memref<!tpu.dma_semaphore, #tpu.memory_space<semaphore_mem>>
        %dma_start3A_55 = arith.constant 0 : i32
        %dma_start3A_56 = arith.constant 0 : i32
        %dma_start3A_57 = tpu.memref_slice %arg3[%add3A_42, %dma_start3A_55, %dma_start3A_56] : memref<5056x2x128xi32, #tpu.memory_space<hbm>> -> memref<1x2x128xi32, #tpu.memory_space<hbm>>
        %dma_start3A_58 = tpu.memref_squeeze %dma_start3A_57 : memref<1x2x128xi32, #tpu.memory_space<hbm>> -> memref<2x128xi32, #tpu.memory_space<hbm>>
        %dma_start3A_59 = arith.constant 0 : i32
        %dma_start3A_60 = arith.constant 0 : i32
        %dma_start3A_61 = tpu.memref_slice %arg3[%add3A_42, %dma_start3A_59, %dma_start3A_60] : memref<5056x2x128xi32, #tpu.memory_space<hbm>> -> memref<1x2x128xi32, #tpu.memory_space<hbm>>
        %dma_start3A_62 = tpu.memref_squeeze %dma_start3A_61 : memref<1x2x128xi32, #tpu.memory_space<hbm>> -> memref<2x128xi32, #tpu.memory_space<hbm>>
        tpu.enqueue_dma source(%dma_start3A_62 : memref<2x128xi32, #tpu.memory_space<hbm>>) target(%arg6 : memref<2x128xi32, #tpu.memory_space<vmem>>) target_semaphore(%run_scoped3A : memref<!tpu.dma_semaphore, #tpu.memory_space<semaphore_mem>>)
        %dma_wait3A_63 = arith.constant 0 : i32
        %dma_wait3A_64 = arith.constant 0 : i32
        %dma_wait3A_65 = tpu.memref_slice %arg3[%add3A_42, %dma_wait3A_63, %dma_wait3A_64] : memref<5056x2x128xi32, #tpu.memory_space<hbm>> -> memref<1x2x128xi32, #tpu.memory_space<hbm>>
        %dma_wait3A_66 = tpu.memref_squeeze %dma_wait3A_65 : memref<1x2x128xi32, #tpu.memory_space<hbm>> -> memref<2x128xi32, #tpu.memory_space<hbm>>
        %dma_wait3A_67 = arith.constant 0 : i32
        %dma_wait3A_68 = arith.constant 0 : i32
        %dma_wait3A_69 = tpu.memref_slice %arg3[%add3A_42, %dma_wait3A_67, %dma_wait3A_68] : memref<5056x2x128xi32, #tpu.memory_space<hbm>> -> memref<1x2x128xi32, #tpu.memory_space<hbm>>
        %dma_wait3A_70 = tpu.memref_squeeze %dma_wait3A_69 : memref<1x2x128xi32, #tpu.memory_space<hbm>> -> memref<2x128xi32, #tpu.memory_space<hbm>>
        tpu.wait_dma2 semaphore(%run_scoped3A : memref<!tpu.dma_semaphore, #tpu.memory_space<semaphore_mem>>) src(%dma_wait3A_70 : memref<2x128xi32, #tpu.memory_space<hbm>>) dst(%arg6 : memref<2x128xi32, #tpu.memory_space<vmem>>)
        tpu.yield
      }) : () -> ()
      %dma_start3A = arith.constant 0 : i32
      %dma_start3A_43 = arith.constant 0 : i32
      %dma_start3A_44 = tpu.memref_slice %arg6[%dma_start3A, %dma_start3A_43] : memref<2x128xi32, #tpu.memory_space<vmem>> -> memref<1x128xi32, #tpu.memory_space<vmem>>
      %dma_start3A_45 = tpu.memref_squeeze %dma_start3A_44 : memref<1x128xi32, #tpu.memory_space<vmem>> -> memref<128xi32, #tpu.memory_space<vmem>>
      %dma_start3A_46 = arith.constant 0 : i32
      %dma_start3A_47 = arith.constant 0 : i32
      %dma_start3A_48 = tpu.memref_slice %arg2[%dma_start3A_46, %dma_start3A_47] : memref<10000x144xbf16, #tpu.memory_space<hbm>> -> memref<10000x144xbf16, #tpu.memory_space<hbm>>
      tpu.enqueue_indirect_dma source(%dma_start3A_48 : memref<10000x144xbf16, #tpu.memory_space<hbm>>) target(%arg8 : memref<128x144xbf16, #tpu.memory_space<vmem>>) offsets(%dma_start3A_45 : memref<128xi32, #tpu.memory_space<vmem>>) semaphore(%arg11 : memref<!tpu.dma_semaphore, #tpu.memory_space<semaphore_mem>>)
      %dma_wait3A = arith.constant 0 : i32
      %dma_wait3A_49 = arith.constant 0 : i32
      %dma_wait3A_50 = tpu.memref_slice %arg6[%dma_wait3A, %dma_wait3A_49] : memref<2x128xi32, #tpu.memory_space<vmem>> -> memref<1x128xi32, #tpu.memory_space<vmem>>
      %dma_wait3A_51 = tpu.memref_squeeze %dma_wait3A_50 : memref<1x128xi32, #tpu.memory_space<vmem>> -> memref<128xi32, #tpu.memory_space<vmem>>
      %dma_wait3A_52 = arith.constant 0 : i32
      %dma_wait3A_53 = arith.constant 0 : i32
      %dma_wait3A_54 = tpu.memref_slice %arg2[%dma_wait3A_52, %dma_wait3A_53] : memref<10000x144xbf16, #tpu.memory_space<hbm>> -> memref<10000x144xbf16, #tpu.memory_space<hbm>>
      tpu.wait_indirect_dma semaphore(%arg11 : memref<!tpu.dma_semaphore, #tpu.memory_space<semaphore_mem>>) src(%dma_wait3A_54 : memref<10000x144xbf16, #tpu.memory_space<hbm>>) dst(%arg8 : memref<128x144xbf16, #tpu.memory_space<vmem>>)
    }
    %scan3A_19 = arith.constant 158 : i32
    %barrier3A_20 = arith.constant 0 : index
    tpu.barrier barrier_id(%barrier3A_20)
    %add3A_21 = arith.constant 0 : i32
    %add3A_22 = arith.addi %mul3A_0, %add3A_21 : i32
    "tpu.region"() ({
      %run_scoped3A = tpu.sem_alloc : memref<!tpu.dma_semaphore, #tpu.memory_space<semaphore_mem>>
      %dma_start3A = arith.constant 0 : i32
      %dma_start3A_41 = arith.constant 0 : i32
      %dma_start3A_42 = tpu.memref_slice %arg8[%dma_start3A, %dma_start3A_41] : memref<128x144xbf16, #tpu.memory_space<vmem>> -> memref<128x144xbf16, #tpu.memory_space<vmem>>
      %dma_start3A_43 = arith.constant 0 : i32
      %dma_start3A_44 = tpu.memref_slice %arg10[%add3A_22, %dma_start3A_43] : memref<10112x144xbf16, #tpu.memory_space<vmem_shared>> -> memref<128x144xbf16, #tpu.memory_space<vmem_shared>>
      %dma_start3A_45 = arith.constant 0 : i32
      %dma_start3A_46 = arith.constant 0 : i32
      %dma_start3A_47 = tpu.memref_slice %arg8[%dma_start3A_45, %dma_start3A_46] : memref<128x144xbf16, #tpu.memory_space<vmem>> -> memref<128x144xbf16, #tpu.memory_space<vmem>>
      %dma_start3A_48 = arith.constant 0 : i32
      %dma_start3A_49 = tpu.memref_slice %arg10[%add3A_22, %dma_start3A_48] : memref<10112x144xbf16, #tpu.memory_space<vmem_shared>> -> memref<128x144xbf16, #tpu.memory_space<vmem_shared>>
      tpu.enqueue_dma source(%dma_start3A_49 : memref<128x144xbf16, #tpu.memory_space<vmem_shared>>) target(%dma_start3A_47 : memref<128x144xbf16, #tpu.memory_space<vmem>>) target_semaphore(%run_scoped3A : memref<!tpu.dma_semaphore, #tpu.memory_space<semaphore_mem>>)
      %dma_wait3A = arith.constant 0 : i32
      %dma_wait3A_50 = arith.constant 0 : i32
      %dma_wait3A_51 = tpu.memref_slice %arg8[%dma_wait3A, %dma_wait3A_50] : memref<128x144xbf16, #tpu.memory_space<vmem>> -> memref<128x144xbf16, #tpu.memory_space<vmem>>
      %dma_wait3A_52 = arith.constant 0 : i32
      %dma_wait3A_53 = tpu.memref_slice %arg10[%add3A_22, %dma_wait3A_52] : memref<10112x144xbf16, #tpu.memory_space<vmem_shared>> -> memref<128x144xbf16, #tpu.memory_space<vmem_shared>>
      %dma_wait3A_54 = arith.constant 0 : i32
      %dma_wait3A_55 = arith.constant 0 : i32
      %dma_wait3A_56 = tpu.memref_slice %arg8[%dma_wait3A_54, %dma_wait3A_55] : memref<128x144xbf16, #tpu.memory_space<vmem>> -> memref<128x144xbf16, #tpu.memory_space<vmem>>
      %dma_wait3A_57 = arith.constant 0 : i32
      %dma_wait3A_58 = tpu.memref_slice %arg10[%add3A_22, %dma_wait3A_57] : memref<10112x144xbf16, #tpu.memory_space<vmem_shared>> -> memref<128x144xbf16, #tpu.memory_space<vmem_shared>>
      tpu.wait_dma2 semaphore(%run_scoped3A : memref<!tpu.dma_semaphore, #tpu.memory_space<semaphore_mem>>) src(%dma_wait3A_58 : memref<128x144xbf16, #tpu.memory_space<vmem_shared>>) dst(%dma_wait3A_56 : memref<128x144xbf16, #tpu.memory_space<vmem>>)
      tpu.yield
    }) : () -> ()
    %add3A_23 = arith.constant 0 : i32
    %add3A_24 = arith.addi %mul3A_0, %add3A_23 : i32
    "tpu.region"() ({
      %run_scoped3A = tpu.sem_alloc : memref<!tpu.dma_semaphore, #tpu.memory_space<semaphore_mem>>
      %dma_start3A = arith.constant 0 : i32
      %dma_start3A_41 = arith.constant 0 : i32
      %dma_start3A_42 = tpu.memref_slice %arg8[%dma_start3A, %dma_start3A_41] : memref<128x144xbf16, #tpu.memory_space<vmem>> -> memref<128x144xbf16, #tpu.memory_space<vmem>>
      %dma_start3A_43 = arith.constant 0 : i32
      %dma_start3A_44 = tpu.memref_slice %arg5[%arg0, %add3A_24, %dma_start3A_43] : memref<2x10112x144xbf16, #tpu.memory_space<hbm>> -> memref<1x128x144xbf16, #tpu.memory_space<hbm>>
      %dma_start3A_45 = tpu.memref_squeeze %dma_start3A_44 : memref<1x128x144xbf16, #tpu.memory_space<hbm>> -> memref<128x144xbf16, #tpu.memory_space<hbm>>
      %dma_start3A_46 = arith.constant 0 : i32
      %dma_start3A_47 = tpu.memref_slice %arg5[%arg0, %add3A_24, %dma_start3A_46] : memref<2x10112x144xbf16, #tpu.memory_space<hbm>> -> memref<1x128x144xbf16, #tpu.memory_space<hbm>>
      %dma_start3A_48 = tpu.memref_squeeze %dma_start3A_47 : memref<1x128x144xbf16, #tpu.memory_space<hbm>> -> memref<128x144xbf16, #tpu.memory_space<hbm>>
      %dma_start3A_49 = arith.constant 0 : i32
      %dma_start3A_50 = arith.constant 0 : i32
      %dma_start3A_51 = tpu.memref_slice %arg8[%dma_start3A_49, %dma_start3A_50] : memref<128x144xbf16, #tpu.memory_space<vmem>> -> memref<128x144xbf16, #tpu.memory_space<vmem>>
      tpu.enqueue_dma source(%dma_start3A_51 : memref<128x144xbf16, #tpu.memory_space<vmem>>) target(%dma_start3A_48 : memref<128x144xbf16, #tpu.memory_space<hbm>>) target_semaphore(%run_scoped3A : memref<!tpu.dma_semaphore, #tpu.memory_space<semaphore_mem>>)
      %dma_wait3A = arith.constant 0 : i32
      %dma_wait3A_52 = arith.constant 0 : i32
      %dma_wait3A_53 = tpu.memref_slice %arg8[%dma_wait3A, %dma_wait3A_52] : memref<128x144xbf16, #tpu.memory_space<vmem>> -> memref<128x144xbf16, #tpu.memory_space<vmem>>
      %dma_wait3A_54 = arith.constant 0 : i32
      %dma_wait3A_55 = tpu.memref_slice %arg5[%arg0, %add3A_24, %dma_wait3A_54] : memref<2x10112x144xbf16, #tpu.memory_space<hbm>> -> memref<1x128x144xbf16, #tpu.memory_space<hbm>>
      %dma_wait3A_56 = tpu.memref_squeeze %dma_wait3A_55 : memref<1x128x144xbf16, #tpu.memory_space<hbm>> -> memref<128x144xbf16, #tpu.memory_space<hbm>>
      %dma_wait3A_57 = arith.constant 0 : i32
      %dma_wait3A_58 = tpu.memref_slice %arg5[%arg0, %add3A_24, %dma_wait3A_57] : memref<2x10112x144xbf16, #tpu.memory_space<hbm>> -> memref<1x128x144xbf16, #tpu.memory_space<hbm>>
      %dma_wait3A_59 = tpu.memref_squeeze %dma_wait3A_58 : memref<1x128x144xbf16, #tpu.memory_space<hbm>> -> memref<128x144xbf16, #tpu.memory_space<hbm>>
      %dma_wait3A_60 = arith.constant 0 : i32
      %dma_wait3A_61 = arith.constant 0 : i32
      %dma_wait3A_62 = tpu.memref_slice %arg8[%dma_wait3A_60, %dma_wait3A_61] : memref<128x144xbf16, #tpu.memory_space<vmem>> -> memref<128x144xbf16, #tpu.memory_space<vmem>>
      tpu.wait_dma2 semaphore(%run_scoped3A : memref<!tpu.dma_semaphore, #tpu.memory_space<semaphore_mem>>) src(%dma_wait3A_62 : memref<128x144xbf16, #tpu.memory_space<vmem>>) dst(%dma_wait3A_59 : memref<128x144xbf16, #tpu.memory_space<hbm>>)
      tpu.yield
    }) : () -> ()
    %add3A_25 = arith.constant 128 : i32
    %add3A_26 = arith.addi %mul3A_0, %add3A_25 : i32
    "tpu.region"() ({
      %run_scoped3A = tpu.sem_alloc : memref<!tpu.dma_semaphore, #tpu.memory_space<semaphore_mem>>
      %dma_start3A = arith.constant 0 : i32
      %dma_start3A_41 = arith.constant 0 : i32
      %dma_start3A_42 = tpu.memref_slice %arg8[%dma_start3A, %dma_start3A_41] : memref<128x144xbf16, #tpu.memory_space<vmem>> -> memref<128x144xbf16, #tpu.memory_space<vmem>>
      %dma_start3A_43 = arith.constant 0 : i32
      %dma_start3A_44 = tpu.memref_slice %arg10[%add3A_26, %dma_start3A_43] : memref<10112x144xbf16, #tpu.memory_space<vmem_shared>> -> memref<128x144xbf16, #tpu.memory_space<vmem_shared>>
      %dma_start3A_45 = arith.constant 0 : i32
      %dma_start3A_46 = arith.constant 0 : i32
      %dma_start3A_47 = tpu.memref_slice %arg8[%dma_start3A_45, %dma_start3A_46] : memref<128x144xbf16, #tpu.memory_space<vmem>> -> memref<128x144xbf16, #tpu.memory_space<vmem>>
      %dma_start3A_48 = arith.constant 0 : i32
      %dma_start3A_49 = tpu.memref_slice %arg10[%add3A_26, %dma_start3A_48] : memref<10112x144xbf16, #tpu.memory_space<vmem_shared>> -> memref<128x144xbf16, #tpu.memory_space<vmem_shared>>
      tpu.enqueue_dma source(%dma_start3A_49 : memref<128x144xbf16, #tpu.memory_space<vmem_shared>>) target(%dma_start3A_47 : memref<128x144xbf16, #tpu.memory_space<vmem>>) target_semaphore(%run_scoped3A : memref<!tpu.dma_semaphore, #tpu.memory_space<semaphore_mem>>)
      %dma_wait3A = arith.constant 0 : i32
      %dma_wait3A_50 = arith.constant 0 : i32
      %dma_wait3A_51 = tpu.memref_slice %arg8[%dma_wait3A, %dma_wait3A_50] : memref<128x144xbf16, #tpu.memory_space<vmem>> -> memref<128x144xbf16, #tpu.memory_space<vmem>>
      %dma_wait3A_52 = arith.constant 0 : i32
      %dma_wait3A_53 = tpu.memref_slice %arg10[%add3A_26, %dma_wait3A_52] : memref<10112x144xbf16, #tpu.memory_space<vmem_shared>> -> memref<128x144xbf16, #tpu.memory_space<vmem_shared>>
      %dma_wait3A_54 = arith.constant 0 : i32
      %dma_wait3A_55 = arith.constant 0 : i32
      %dma_wait3A_56 = tpu.memref_slice %arg8[%dma_wait3A_54, %dma_wait3A_55] : memref<128x144xbf16, #tpu.memory_space<vmem>> -> memref<128x144xbf16, #tpu.memory_space<vmem>>
      %dma_wait3A_57 = arith.constant 0 : i32
      %dma_wait3A_58 = tpu.memref_slice %arg10[%add3A_26, %dma_wait3A_57] : memref<10112x144xbf16, #tpu.memory_space<vmem_shared>> -> memref<128x144xbf16, #tpu.memory_space<vmem_shared>>
      tpu.wait_dma2 semaphore(%run_scoped3A : memref<!tpu.dma_semaphore, #tpu.memory_space<semaphore_mem>>) src(%dma_wait3A_58 : memref<128x144xbf16, #tpu.memory_space<vmem_shared>>) dst(%dma_wait3A_56 : memref<128x144xbf16, #tpu.memory_space<vmem>>)
      tpu.yield
    }) : () -> ()
    %add3A_27 = arith.constant 128 : i32
    %add3A_28 = arith.addi %mul3A_0, %add3A_27 : i32
    "tpu.region"() ({
      %run_scoped3A = tpu.sem_alloc : memref<!tpu.dma_semaphore, #tpu.memory_space<semaphore_mem>>
      %dma_start3A = arith.constant 0 : i32
      %dma_start3A_41 = arith.constant 0 : i32
      %dma_start3A_42 = tpu.memref_slice %arg8[%dma_start3A, %dma_start3A_41] : memref<128x144xbf16, #tpu.memory_space<vmem>> -> memref<128x144xbf16, #tpu.memory_space<vmem>>
      %dma_start3A_43 = arith.constant 0 : i32
      %dma_start3A_44 = tpu.memref_slice %arg5[%arg0, %add3A_28, %dma_start3A_43] : memref<2x10112x144xbf16, #tpu.memory_space<hbm>> -> memref<1x128x144xbf16, #tpu.memory_space<hbm>>
      %dma_start3A_45 = tpu.memref_squeeze %dma_start3A_44 : memref<1x128x144xbf16, #tpu.memory_space<hbm>> -> memref<128x144xbf16, #tpu.memory_space<hbm>>
      %dma_start3A_46 = arith.constant 0 : i32
      %dma_start3A_47 = tpu.memref_slice %arg5[%arg0, %add3A_28, %dma_start3A_46] : memref<2x10112x144xbf16, #tpu.memory_space<hbm>> -> memref<1x128x144xbf16, #tpu.memory_space<hbm>>
      %dma_start3A_48 = tpu.memref_squeeze %dma_start3A_47 : memref<1x128x144xbf16, #tpu.memory_space<hbm>> -> memref<128x144xbf16, #tpu.memory_space<hbm>>
      %dma_start3A_49 = arith.constant 0 : i32
      %dma_start3A_50 = arith.constant 0 : i32
      %dma_start3A_51 = tpu.memref_slice %arg8[%dma_start3A_49, %dma_start3A_50] : memref<128x144xbf16, #tpu.memory_space<vmem>> -> memref<128x144xbf16, #tpu.memory_space<vmem>>
      tpu.enqueue_dma source(%dma_start3A_51 : memref<128x144xbf16, #tpu.memory_space<vmem>>) target(%dma_start3A_48 : memref<128x144xbf16, #tpu.memory_space<hbm>>) target_semaphore(%run_scoped3A : memref<!tpu.dma_semaphore, #tpu.memory_space<semaphore_mem>>)
      %dma_wait3A = arith.constant 0 : i32
      %dma_wait3A_52 = arith.constant 0 : i32
      %dma_wait3A_53 = tpu.memref_slice %arg8[%dma_wait3A, %dma_wait3A_52] : memref<128x144xbf16, #tpu.memory_space<vmem>> -> memref<128x144xbf16, #tpu.memory_space<vmem>>
      %dma_wait3A_54 = arith.constant 0 : i32
      %dma_wait3A_55 = tpu.memref_slice %arg5[%arg0, %add3A_28, %dma_wait3A_54] : memref<2x10112x144xbf16, #tpu.memory_space<hbm>> -> memref<1x128x144xbf16, #tpu.memory_space<hbm>>
      %dma_wait3A_56 = tpu.memref_squeeze %dma_wait3A_55 : memref<1x128x144xbf16, #tpu.memory_space<hbm>> -> memref<128x144xbf16, #tpu.memory_space<hbm>>
      %dma_wait3A_57 = arith.constant 0 : i32
      %dma_wait3A_58 = tpu.memref_slice %arg5[%arg0, %add3A_28, %dma_wait3A_57] : memref<2x10112x144xbf16, #tpu.memory_space<hbm>> -> memref<1x128x144xbf16, #tpu.memory_space<hbm>>
      %dma_wait3A_59 = tpu.memref_squeeze %dma_wait3A_58 : memref<1x128x144xbf16, #tpu.memory_space<hbm>> -> memref<128x144xbf16, #tpu.memory_space<hbm>>
      %dma_wait3A_60 = arith.constant 0 : i32
      %dma_wait3A_61 = arith.constant 0 : i32
      %dma_wait3A_62 = tpu.memref_slice %arg8[%dma_wait3A_60, %dma_wait3A_61] : memref<128x144xbf16, #tpu.memory_space<vmem>> -> memref<128x144xbf16, #tpu.memory_space<vmem>>
      tpu.wait_dma2 semaphore(%run_scoped3A : memref<!tpu.dma_semaphore, #tpu.memory_space<semaphore_mem>>) src(%dma_wait3A_62 : memref<128x144xbf16, #tpu.memory_space<vmem>>) dst(%dma_wait3A_59 : memref<128x144xbf16, #tpu.memory_space<hbm>>)
      tpu.yield
    }) : () -> ()
    %add3A_29 = arith.constant 256 : i32
    %add3A_30 = arith.addi %mul3A_0, %add3A_29 : i32
    "tpu.region"() ({
      %run_scoped3A = tpu.sem_alloc : memref<!tpu.dma_semaphore, #tpu.memory_space<semaphore_mem>>
      %dma_start3A = arith.constant 0 : i32
      %dma_start3A_41 = arith.constant 0 : i32
      %dma_start3A_42 = tpu.memref_slice %arg8[%dma_start3A, %dma_start3A_41] : memref<128x144xbf16, #tpu.memory_space<vmem>> -> memref<128x144xbf16, #tpu.memory_space<vmem>>
      %dma_start3A_43 = arith.constant 0 : i32
      %dma_start3A_44 = tpu.memref_slice %arg10[%add3A_30, %dma_start3A_43] : memref<10112x144xbf16, #tpu.memory_space<vmem_shared>> -> memref<128x144xbf16, #tpu.memory_space<vmem_shared>>
      %dma_start3A_45 = arith.constant 0 : i32
      %dma_start3A_46 = arith.constant 0 : i32
      %dma_start3A_47 = tpu.memref_slice %arg8[%dma_start3A_45, %dma_start3A_46] : memref<128x144xbf16, #tpu.memory_space<vmem>> -> memref<128x144xbf16, #tpu.memory_space<vmem>>
      %dma_start3A_48 = arith.constant 0 : i32
      %dma_start3A_49 = tpu.memref_slice %arg10[%add3A_30, %dma_start3A_48] : memref<10112x144xbf16, #tpu.memory_space<vmem_shared>> -> memref<128x144xbf16, #tpu.memory_space<vmem_shared>>
      tpu.enqueue_dma source(%dma_start3A_49 : memref<128x144xbf16, #tpu.memory_space<vmem_shared>>) target(%dma_start3A_47 : memref<128x144xbf16, #tpu.memory_space<vmem>>) target_semaphore(%run_scoped3A : memref<!tpu.dma_semaphore, #tpu.memory_space<semaphore_mem>>)
      %dma_wait3A = arith.constant 0 : i32
      %dma_wait3A_50 = arith.constant 0 : i32
      %dma_wait3A_51 = tpu.memref_slice %arg8[%dma_wait3A, %dma_wait3A_50] : memref<128x144xbf16, #tpu.memory_space<vmem>> -> memref<128x144xbf16, #tpu.memory_space<vmem>>
      %dma_wait3A_52 = arith.constant 0 : i32
      %dma_wait3A_53 = tpu.memref_slice %arg10[%add3A_30, %dma_wait3A_52] : memref<10112x144xbf16, #tpu.memory_space<vmem_shared>> -> memref<128x144xbf16, #tpu.memory_space<vmem_shared>>
      %dma_wait3A_54 = arith.constant 0 : i32
      %dma_wait3A_55 = arith.constant 0 : i32
      %dma_wait3A_56 = tpu.memref_slice %arg8[%dma_wait3A_54, %dma_wait3A_55] : memref<128x144xbf16, #tpu.memory_space<vmem>> -> memref<128x144xbf16, #tpu.memory_space<vmem>>
      %dma_wait3A_57 = arith.constant 0 : i32
      %dma_wait3A_58 = tpu.memref_slice %arg10[%add3A_30, %dma_wait3A_57] : memref<10112x144xbf16, #tpu.memory_space<vmem_shared>> -> memref<128x144xbf16, #tpu.memory_space<vmem_shared>>
      tpu.wait_dma2 semaphore(%run_scoped3A : memref<!tpu.dma_semaphore, #tpu.memory_space<semaphore_mem>>) src(%dma_wait3A_58 : memref<128x144xbf16, #tpu.memory_space<vmem_shared>>) dst(%dma_wait3A_56 : memref<128x144xbf16, #tpu.memory_space<vmem>>)
      tpu.yield
    }) : () -> ()
    %add3A_31 = arith.constant 256 : i32
    %add3A_32 = arith.addi %mul3A_0, %add3A_31 : i32
    "tpu.region"() ({
      %run_scoped3A = tpu.sem_alloc : memref<!tpu.dma_semaphore, #tpu.memory_space<semaphore_mem>>
      %dma_start3A = arith.constant 0 : i32
      %dma_start3A_41 = arith.constant 0 : i32
      %dma_start3A_42 = tpu.memref_slice %arg8[%dma_start3A, %dma_start3A_41] : memref<128x144xbf16, #tpu.memory_space<vmem>> -> memref<128x144xbf16, #tpu.memory_space<vmem>>
      %dma_start3A_43 = arith.constant 0 : i32
      %dma_start3A_44 = tpu.memref_slice %arg5[%arg0, %add3A_32, %dma_start3A_43] : memref<2x10112x144xbf16, #tpu.memory_space<hbm>> -> memref<1x128x144xbf16, #tpu.memory_space<hbm>>
      %dma_start3A_45 = tpu.memref_squeeze %dma_start3A_44 : memref<1x128x144xbf16, #tpu.memory_space<hbm>> -> memref<128x144xbf16, #tpu.memory_space<hbm>>
      %dma_start3A_46 = arith.constant 0 : i32
      %dma_start3A_47 = tpu.memref_slice %arg5[%arg0, %add3A_32, %dma_start3A_46] : memref<2x10112x144xbf16, #tpu.memory_space<hbm>> -> memref<1x128x144xbf16, #tpu.memory_space<hbm>>
      %dma_start3A_48 = tpu.memref_squeeze %dma_start3A_47 : memref<1x128x144xbf16, #tpu.memory_space<hbm>> -> memref<128x144xbf16, #tpu.memory_space<hbm>>
      %dma_start3A_49 = arith.constant 0 : i32
      %dma_start3A_50 = arith.constant 0 : i32
      %dma_start3A_51 = tpu.memref_slice %arg8[%dma_start3A_49, %dma_start3A_50] : memref<128x144xbf16, #tpu.memory_space<vmem>> -> memref<128x144xbf16, #tpu.memory_space<vmem>>
      tpu.enqueue_dma source(%dma_start3A_51 : memref<128x144xbf16, #tpu.memory_space<vmem>>) target(%dma_start3A_48 : memref<128x144xbf16, #tpu.memory_space<hbm>>) target_semaphore(%run_scoped3A : memref<!tpu.dma_semaphore, #tpu.memory_space<semaphore_mem>>)
      %dma_wait3A = arith.constant 0 : i32
      %dma_wait3A_52 = arith.constant 0 : i32
      %dma_wait3A_53 = tpu.memref_slice %arg8[%dma_wait3A, %dma_wait3A_52] : memref<128x144xbf16, #tpu.memory_space<vmem>> -> memref<128x144xbf16, #tpu.memory_space<vmem>>
      %dma_wait3A_54 = arith.constant 0 : i32
      %dma_wait3A_55 = tpu.memref_slice %arg5[%arg0, %add3A_32, %dma_wait3A_54] : memref<2x10112x144xbf16, #tpu.memory_space<hbm>> -> memref<1x128x144xbf16, #tpu.memory_space<hbm>>
      %dma_wait3A_56 = tpu.memref_squeeze %dma_wait3A_55 : memref<1x128x144xbf16, #tpu.memory_space<hbm>> -> memref<128x144xbf16, #tpu.memory_space<hbm>>
      %dma_wait3A_57 = arith.constant 0 : i32
      %dma_wait3A_58 = tpu.memref_slice %arg5[%arg0, %add3A_32, %dma_wait3A_57] : memref<2x10112x144xbf16, #tpu.memory_space<hbm>> -> memref<1x128x144xbf16, #tpu.memory_space<hbm>>
      %dma_wait3A_59 = tpu.memref_squeeze %dma_wait3A_58 : memref<1x128x144xbf16, #tpu.memory_space<hbm>> -> memref<128x144xbf16, #tpu.memory_space<hbm>>
      %dma_wait3A_60 = arith.constant 0 : i32
      %dma_wait3A_61 = arith.constant 0 : i32
      %dma_wait3A_62 = tpu.memref_slice %arg8[%dma_wait3A_60, %dma_wait3A_61] : memref<128x144xbf16, #tpu.memory_space<vmem>> -> memref<128x144xbf16, #tpu.memory_space<vmem>>
      tpu.wait_dma2 semaphore(%run_scoped3A : memref<!tpu.dma_semaphore, #tpu.memory_space<semaphore_mem>>) src(%dma_wait3A_62 : memref<128x144xbf16, #tpu.memory_space<vmem>>) dst(%dma_wait3A_59 : memref<128x144xbf16, #tpu.memory_space<hbm>>)
      tpu.yield
    }) : () -> ()
    %add3A_33 = arith.constant 384 : i32
    %add3A_34 = arith.addi %mul3A_0, %add3A_33 : i32
    "tpu.region"() ({
      %run_scoped3A = tpu.sem_alloc : memref<!tpu.dma_semaphore, #tpu.memory_space<semaphore_mem>>
      %dma_start3A = arith.constant 0 : i32
      %dma_start3A_41 = arith.constant 0 : i32
      %dma_start3A_42 = tpu.memref_slice %arg8[%dma_start3A, %dma_start3A_41] : memref<128x144xbf16, #tpu.memory_space<vmem>> -> memref<128x144xbf16, #tpu.memory_space<vmem>>
      %dma_start3A_43 = arith.constant 0 : i32
      %dma_start3A_44 = tpu.memref_slice %arg10[%add3A_34, %dma_start3A_43] : memref<10112x144xbf16, #tpu.memory_space<vmem_shared>> -> memref<128x144xbf16, #tpu.memory_space<vmem_shared>>
      %dma_start3A_45 = arith.constant 0 : i32
      %dma_start3A_46 = arith.constant 0 : i32
      %dma_start3A_47 = tpu.memref_slice %arg8[%dma_start3A_45, %dma_start3A_46] : memref<128x144xbf16, #tpu.memory_space<vmem>> -> memref<128x144xbf16, #tpu.memory_space<vmem>>
      %dma_start3A_48 = arith.constant 0 : i32
      %dma_start3A_49 = tpu.memref_slice %arg10[%add3A_34, %dma_start3A_48] : memref<10112x144xbf16, #tpu.memory_space<vmem_shared>> -> memref<128x144xbf16, #tpu.memory_space<vmem_shared>>
      tpu.enqueue_dma source(%dma_start3A_49 : memref<128x144xbf16, #tpu.memory_space<vmem_shared>>) target(%dma_start3A_47 : memref<128x144xbf16, #tpu.memory_space<vmem>>) target_semaphore(%run_scoped3A : memref<!tpu.dma_semaphore, #tpu.memory_space<semaphore_mem>>)
      %dma_wait3A = arith.constant 0 : i32
      %dma_wait3A_50 = arith.constant 0 : i32
      %dma_wait3A_51 = tpu.memref_slice %arg8[%dma_wait3A, %dma_wait3A_50] : memref<128x144xbf16, #tpu.memory_space<vmem>> -> memref<128x144xbf16, #tpu.memory_space<vmem>>
      %dma_wait3A_52 = arith.constant 0 : i32
      %dma_wait3A_53 = tpu.memref_slice %arg10[%add3A_34, %dma_wait3A_52] : memref<10112x144xbf16, #tpu.memory_space<vmem_shared>> -> memref<128x144xbf16, #tpu.memory_space<vmem_shared>>
      %dma_wait3A_54 = arith.constant 0 : i32
      %dma_wait3A_55 = arith.constant 0 : i32
      %dma_wait3A_56 = tpu.memref_slice %arg8[%dma_wait3A_54, %dma_wait3A_55] : memref<128x144xbf16, #tpu.memory_space<vmem>> -> memref<128x144xbf16, #tpu.memory_space<vmem>>
      %dma_wait3A_57 = arith.constant 0 : i32
      %dma_wait3A_58 = tpu.memref_slice %arg10[%add3A_34, %dma_wait3A_57] : memref<10112x144xbf16, #tpu.memory_space<vmem_shared>> -> memref<128x144xbf16, #tpu.memory_space<vmem_shared>>
      tpu.wait_dma2 semaphore(%run_scoped3A : memref<!tpu.dma_semaphore, #tpu.memory_space<semaphore_mem>>) src(%dma_wait3A_58 : memref<128x144xbf16, #tpu.memory_space<vmem_shared>>) dst(%dma_wait3A_56 : memref<128x144xbf16, #tpu.memory_space<vmem>>)
      tpu.yield
    }) : () -> ()
    %add3A_35 = arith.constant 384 : i32
    %add3A_36 = arith.addi %mul3A_0, %add3A_35 : i32
    "tpu.region"() ({
      %run_scoped3A = tpu.sem_alloc : memref<!tpu.dma_semaphore, #tpu.memory_space<semaphore_mem>>
      %dma_start3A = arith.constant 0 : i32
      %dma_start3A_41 = arith.constant 0 : i32
      %dma_start3A_42 = tpu.memref_slice %arg8[%dma_start3A, %dma_start3A_41] : memref<128x144xbf16, #tpu.memory_space<vmem>> -> memref<128x144xbf16, #tpu.memory_space<vmem>>
      %dma_start3A_43 = arith.constant 0 : i32
      %dma_start3A_44 = tpu.memref_slice %arg5[%arg0, %add3A_36, %dma_start3A_43] : memref<2x10112x144xbf16, #tpu.memory_space<hbm>> -> memref<1x128x144xbf16, #tpu.memory_space<hbm>>
      %dma_start3A_45 = tpu.memref_squeeze %dma_start3A_44 : memref<1x128x144xbf16, #tpu.memory_space<hbm>> -> memref<128x144xbf16, #tpu.memory_space<hbm>>
      %dma_start3A_46 = arith.constant 0 : i32
      %dma_start3A_47 = tpu.memref_slice %arg5[%arg0, %add3A_36, %dma_start3A_46] : memref<2x10112x144xbf16, #tpu.memory_space<hbm>> -> memref<1x128x144xbf16, #tpu.memory_space<hbm>>
      %dma_start3A_48 = tpu.memref_squeeze %dma_start3A_47 : memref<1x128x144xbf16, #tpu.memory_space<hbm>> -> memref<128x144xbf16, #tpu.memory_space<hbm>>
      %dma_start3A_49 = arith.constant 0 : i32
      %dma_start3A_50 = arith.constant 0 : i32
      %dma_start3A_51 = tpu.memref_slice %arg8[%dma_start3A_49, %dma_start3A_50] : memref<128x144xbf16, #tpu.memory_space<vmem>> -> memref<128x144xbf16, #tpu.memory_space<vmem>>
      tpu.enqueue_dma source(%dma_start3A_51 : memref<128x144xbf16, #tpu.memory_space<vmem>>) target(%dma_start3A_48 : memref<128x144xbf16, #tpu.memory_space<hbm>>) target_semaphore(%run_scoped3A : memref<!tpu.dma_semaphore, #tpu.memory_space<semaphore_mem>>)
      %dma_wait3A = arith.constant 0 : i32
      %dma_wait3A_52 = arith.constant 0 : i32
      %dma_wait3A_53 = tpu.memref_slice %arg8[%dma_wait3A, %dma_wait3A_52] : memref<128x144xbf16, #tpu.memory_space<vmem>> -> memref<128x144xbf16, #tpu.memory_space<vmem>>
      %dma_wait3A_54 = arith.constant 0 : i32
      %dma_wait3A_55 = tpu.memref_slice %arg5[%arg0, %add3A_36, %dma_wait3A_54] : memref<2x10112x144xbf16, #tpu.memory_space<hbm>> -> memref<1x128x144xbf16, #tpu.memory_space<hbm>>
      %dma_wait3A_56 = tpu.memref_squeeze %dma_wait3A_55 : memref<1x128x144xbf16, #tpu.memory_space<hbm>> -> memref<128x144xbf16, #tpu.memory_space<hbm>>
      %dma_wait3A_57 = arith.constant 0 : i32
      %dma_wait3A_58 = tpu.memref_slice %arg5[%arg0, %add3A_36, %dma_wait3A_57] : memref<2x10112x144xbf16, #tpu.memory_space<hbm>> -> memref<1x128x144xbf16, #tpu.memory_space<hbm>>
      %dma_wait3A_59 = tpu.memref_squeeze %dma_wait3A_58 : memref<1x128x144xbf16, #tpu.memory_space<hbm>> -> memref<128x144xbf16, #tpu.memory_space<hbm>>
      %dma_wait3A_60 = arith.constant 0 : i32
      %dma_wait3A_61 = arith.constant 0 : i32
      %dma_wait3A_62 = tpu.memref_slice %arg8[%dma_wait3A_60, %dma_wait3A_61] : memref<128x144xbf16, #tpu.memory_space<vmem>> -> memref<128x144xbf16, #tpu.memory_space<vmem>>
      tpu.wait_dma2 semaphore(%run_scoped3A : memref<!tpu.dma_semaphore, #tpu.memory_space<semaphore_mem>>) src(%dma_wait3A_62 : memref<128x144xbf16, #tpu.memory_space<vmem>>) dst(%dma_wait3A_59 : memref<128x144xbf16, #tpu.memory_space<hbm>>)
      tpu.yield
    }) : () -> ()
    %add3A_37 = arith.constant 512 : i32
    %add3A_38 = arith.addi %mul3A_0, %add3A_37 : i32
    "tpu.region"() ({
      %run_scoped3A = tpu.sem_alloc : memref<!tpu.dma_semaphore, #tpu.memory_space<semaphore_mem>>
      %dma_start3A = arith.constant 0 : i32
      %dma_start3A_41 = arith.constant 0 : i32
      %dma_start3A_42 = tpu.memref_slice %arg8[%dma_start3A, %dma_start3A_41] : memref<128x144xbf16, #tpu.memory_space<vmem>> -> memref<120x144xbf16, #tpu.memory_space<vmem>>
      %dma_start3A_43 = arith.constant 0 : i32
      %dma_start3A_44 = tpu.memref_slice %arg10[%add3A_38, %dma_start3A_43] : memref<10112x144xbf16, #tpu.memory_space<vmem_shared>> -> memref<120x144xbf16, #tpu.memory_space<vmem_shared>>
      %dma_start3A_45 = arith.constant 0 : i32
      %dma_start3A_46 = arith.constant 0 : i32
      %dma_start3A_47 = tpu.memref_slice %arg8[%dma_start3A_45, %dma_start3A_46] : memref<128x144xbf16, #tpu.memory_space<vmem>> -> memref<120x144xbf16, #tpu.memory_space<vmem>>
      %dma_start3A_48 = arith.constant 0 : i32
      %dma_start3A_49 = tpu.memref_slice %arg10[%add3A_38, %dma_start3A_48] : memref<10112x144xbf16, #tpu.memory_space<vmem_shared>> -> memref<120x144xbf16, #tpu.memory_space<vmem_shared>>
      tpu.enqueue_dma source(%dma_start3A_49 : memref<120x144xbf16, #tpu.memory_space<vmem_shared>>) target(%dma_start3A_47 : memref<120x144xbf16, #tpu.memory_space<vmem>>) target_semaphore(%run_scoped3A : memref<!tpu.dma_semaphore, #tpu.memory_space<semaphore_mem>>)
      %dma_wait3A = arith.constant 0 : i32
      %dma_wait3A_50 = arith.constant 0 : i32
      %dma_wait3A_51 = tpu.memref_slice %arg8[%dma_wait3A, %dma_wait3A_50] : memref<128x144xbf16, #tpu.memory_space<vmem>> -> memref<120x144xbf16, #tpu.memory_space<vmem>>
      %dma_wait3A_52 = arith.constant 0 : i32
      %dma_wait3A_53 = tpu.memref_slice %arg10[%add3A_38, %dma_wait3A_52] : memref<10112x144xbf16, #tpu.memory_space<vmem_shared>> -> memref<120x144xbf16, #tpu.memory_space<vmem_shared>>
      %dma_wait3A_54 = arith.constant 0 : i32
      %dma_wait3A_55 = arith.constant 0 : i32
      %dma_wait3A_56 = tpu.memref_slice %arg8[%dma_wait3A_54, %dma_wait3A_55] : memref<128x144xbf16, #tpu.memory_space<vmem>> -> memref<120x144xbf16, #tpu.memory_space<vmem>>
      %dma_wait3A_57 = arith.constant 0 : i32
      %dma_wait3A_58 = tpu.memref_slice %arg10[%add3A_38, %dma_wait3A_57] : memref<10112x144xbf16, #tpu.memory_space<vmem_shared>> -> memref<120x144xbf16, #tpu.memory_space<vmem_shared>>
      tpu.wait_dma2 semaphore(%run_scoped3A : memref<!tpu.dma_semaphore, #tpu.memory_space<semaphore_mem>>) src(%dma_wait3A_58 : memref<120x144xbf16, #tpu.memory_space<vmem_shared>>) dst(%dma_wait3A_56 : memref<120x144xbf16, #tpu.memory_space<vmem>>)
      tpu.yield
    }) : () -> ()
    %add3A_39 = arith.constant 512 : i32
    %add3A_40 = arith.addi %mul3A_0, %add3A_39 : i32
    "tpu.region"() ({
      %run_scoped3A = tpu.sem_alloc : memref<!tpu.dma_semaphore, #tpu.memory_space<semaphore_mem>>
      %dma_start3A = arith.constant 0 : i32
      %dma_start3A_41 = arith.constant 0 : i32
      %dma_start3A_42 = tpu.memref_slice %arg8[%dma_start3A, %dma_start3A_41] : memref<128x144xbf16, #tpu.memory_space<vmem>> -> memref<120x144xbf16, #tpu.memory_space<vmem>>
      %dma_start3A_43 = arith.constant 0 : i32
      %dma_start3A_44 = tpu.memref_slice %arg5[%arg0, %add3A_40, %dma_start3A_43] : memref<2x10112x144xbf16, #tpu.memory_space<hbm>> -> memref<1x120x144xbf16, #tpu.memory_space<hbm>>
      %dma_start3A_45 = tpu.memref_squeeze %dma_start3A_44 : memref<1x120x144xbf16, #tpu.memory_space<hbm>> -> memref<120x144xbf16, #tpu.memory_space<hbm>>
      %dma_start3A_46 = arith.constant 0 : i32
      %dma_start3A_47 = tpu.memref_slice %arg5[%arg0, %add3A_40, %dma_start3A_46] : memref<2x10112x144xbf16, #tpu.memory_space<hbm>> -> memref<1x120x144xbf16, #tpu.memory_space<hbm>>
      %dma_start3A_48 = tpu.memref_squeeze %dma_start3A_47 : memref<1x120x144xbf16, #tpu.memory_space<hbm>> -> memref<120x144xbf16, #tpu.memory_space<hbm>>
      %dma_start3A_49 = arith.constant 0 : i32
      %dma_start3A_50 = arith.constant 0 : i32
      %dma_start3A_51 = tpu.memref_slice %arg8[%dma_start3A_49, %dma_start3A_50] : memref<128x144xbf16, #tpu.memory_space<vmem>> -> memref<120x144xbf16, #tpu.memory_space<vmem>>
      tpu.enqueue_dma source(%dma_start3A_51 : memref<120x144xbf16, #tpu.memory_space<vmem>>) target(%dma_start3A_48 : memref<120x144xbf16, #tpu.memory_space<hbm>>) target_semaphore(%run_scoped3A : memref<!tpu.dma_semaphore, #tpu.memory_space<semaphore_mem>>)
      %dma_wait3A = arith.constant 0 : i32
      %dma_wait3A_52 = arith.constant 0 : i32
      %dma_wait3A_53 = tpu.memref_slice %arg8[%dma_wait3A, %dma_wait3A_52] : memref<128x144xbf16, #tpu.memory_space<vmem>> -> memref<120x144xbf16, #tpu.memory_space<vmem>>
      %dma_wait3A_54 = arith.constant 0 : i32
      %dma_wait3A_55 = tpu.memref_slice %arg5[%arg0, %add3A_40, %dma_wait3A_54] : memref<2x10112x144xbf16, #tpu.memory_space<hbm>> -> memref<1x120x144xbf16, #tpu.memory_space<hbm>>
      %dma_wait3A_56 = tpu.memref_squeeze %dma_wait3A_55 : memref<1x120x144xbf16, #tpu.memory_space<hbm>> -> memref<120x144xbf16, #tpu.memory_space<hbm>>
      %dma_wait3A_57 = arith.constant 0 : i32
      %dma_wait3A_58 = tpu.memref_slice %arg5[%arg0, %add3A_40, %dma_wait3A_57] : memref<2x10112x144xbf16, #tpu.memory_space<hbm>> -> memref<1x120x144xbf16, #tpu.memory_space<hbm>>
      %dma_wait3A_59 = tpu.memref_squeeze %dma_wait3A_58 : memref<1x120x144xbf16, #tpu.memory_space<hbm>> -> memref<120x144xbf16, #tpu.memory_space<hbm>>
      %dma_wait3A_60 = arith.constant 0 : i32
      %dma_wait3A_61 = arith.constant 0 : i32
      %dma_wait3A_62 = tpu.memref_slice %arg8[%dma_wait3A_60, %dma_wait3A_61] : memref<128x144xbf16, #tpu.memory_space<vmem>> -> memref<120x144xbf16, #tpu.memory_space<vmem>>
      tpu.wait_dma2 semaphore(%run_scoped3A : memref<!tpu.dma_semaphore, #tpu.memory_space<semaphore_mem>>) src(%dma_wait3A_62 : memref<120x144xbf16, #tpu.memory_space<vmem>>) dst(%dma_wait3A_59 : memref<120x144xbf16, #tpu.memory_space<hbm>>)
      tpu.yield
    }) : () -> ()
    return
  }
}

#map = affine_map<(d0, d1) -> (0, 0)>
#map1 = affine_map<(d0, d1) -> (0, 0, 0)>
module attributes {stable_mosaic.version = 14 : i64} {
  func.func @_seg_body(%arg0: i32, %arg1: i32, %arg2: memref<20000x144xbf16, #tpu.memory_space<hbm>>, %arg3: memref<5056x2x128xi32, #tpu.memory_space<hbm>>, %arg4: memref<128x144xbf16, #tpu.memory_space<hbm>>, %arg5: memref<2x10112x144xbf16, #tpu.memory_space<hbm>>, %arg6: memref<2x128xi32, #tpu.memory_space<vmem>>, %arg7: memref<2x128xi32, #tpu.memory_space<vmem>>, %arg8: memref<128x144xbf16, #tpu.memory_space<vmem>>, %arg9: memref<128x144xf32, #tpu.memory_space<vmem>>, %arg10: memref<10112x144xbf16, #tpu.memory_space<vmem_shared>>, %arg11: memref<!tpu.dma_semaphore, #tpu.memory_space<semaphore_mem>>, %arg12: memref<!tpu.dma_semaphore, #tpu.memory_space<semaphore_mem>>) attributes {dimension_semantics = [#tpu.dimension_semantics<core_parallel>, #tpu.dimension_semantics<subcore_parallel>], iteration_bounds = array<i64: 2, 16>, scalar_prefetch = 0 : i64, scratch_operands = 7 : i64, tpu.core_type = #tpu.core_type<sc_vector_subcore>, window_params = [{transform_indices = #map}, {transform_indices = #map1}, {transform_indices = #map}, {transform_indices = #map1}]} {
    %mul3A = arith.constant 632 : i32
    %mul3A_0 = arith.muli %arg1, %mul3A : i32
    "tpu.region"() ({
      %run_scoped3A = tpu.sem_alloc : memref<!tpu.dma_semaphore, #tpu.memory_space<semaphore_mem>>
      tpu.enqueue_dma source(%arg4 : memref<128x144xbf16, #tpu.memory_space<hbm>>) target(%arg8 : memref<128x144xbf16, #tpu.memory_space<vmem>>) target_semaphore(%run_scoped3A : memref<!tpu.dma_semaphore, #tpu.memory_space<semaphore_mem>>)
      tpu.wait_dma2 semaphore(%run_scoped3A : memref<!tpu.dma_semaphore, #tpu.memory_space<semaphore_mem>>) src(%arg4 : memref<128x144xbf16, #tpu.memory_space<hbm>>) dst(%arg8 : memref<128x144xbf16, #tpu.memory_space<vmem>>)
      tpu.yield
    }) : () -> ()
    %add3A = arith.constant 0 : i32
    %add3A_1 = arith.addi %mul3A_0, %add3A : i32
    "tpu.region"() ({
      %run_scoped3A = tpu.sem_alloc : memref<!tpu.dma_semaphore, #tpu.memory_space<semaphore_mem>>
      %dma_start3A = arith.constant 0 : i32
      %dma_start3A_41 = arith.constant 0 : i32
      %dma_start3A_42 = tpu.memref_slice %arg8[%dma_start3A, %dma_start3A_41] : memref<128x144xbf16, #tpu.memory_space<vmem>> -> memref<128x144xbf16, #tpu.memory_space<vmem>>
      %dma_start3A_43 = arith.constant 0 : i32
      %dma_start3A_44 = tpu.memref_slice %arg10[%add3A_1, %dma_start3A_43] : memref<10112x144xbf16, #tpu.memory_space<vmem_shared>> -> memref<128x144xbf16, #tpu.memory_space<vmem_shared>>
      %dma_start3A_45 = arith.constant 0 : i32
      %dma_start3A_46 = tpu.memref_slice %arg10[%add3A_1, %dma_start3A_45] : memref<10112x144xbf16, #tpu.memory_space<vmem_shared>> -> memref<128x144xbf16, #tpu.memory_space<vmem_shared>>
      %dma_start3A_47 = arith.constant 0 : i32
      %dma_start3A_48 = arith.constant 0 : i32
      %dma_start3A_49 = tpu.memref_slice %arg8[%dma_start3A_47, %dma_start3A_48] : memref<128x144xbf16, #tpu.memory_space<vmem>> -> memref<128x144xbf16, #tpu.memory_space<vmem>>
      tpu.enqueue_dma source(%dma_start3A_49 : memref<128x144xbf16, #tpu.memory_space<vmem>>) target(%dma_start3A_46 : memref<128x144xbf16, #tpu.memory_space<vmem_shared>>) target_semaphore(%run_scoped3A : memref<!tpu.dma_semaphore, #tpu.memory_space<semaphore_mem>>)
      %dma_wait3A = arith.constant 0 : i32
      %dma_wait3A_50 = arith.constant 0 : i32
      %dma_wait3A_51 = tpu.memref_slice %arg8[%dma_wait3A, %dma_wait3A_50] : memref<128x144xbf16, #tpu.memory_space<vmem>> -> memref<128x144xbf16, #tpu.memory_space<vmem>>
      %dma_wait3A_52 = arith.constant 0 : i32
      %dma_wait3A_53 = tpu.memref_slice %arg10[%add3A_1, %dma_wait3A_52] : memref<10112x144xbf16, #tpu.memory_space<vmem_shared>> -> memref<128x144xbf16, #tpu.memory_space<vmem_shared>>
      %dma_wait3A_54 = arith.constant 0 : i32
      %dma_wait3A_55 = tpu.memref_slice %arg10[%add3A_1, %dma_wait3A_54] : memref<10112x144xbf16, #tpu.memory_space<vmem_shared>> -> memref<128x144xbf16, #tpu.memory_space<vmem_shared>>
      %dma_wait3A_56 = arith.constant 0 : i32
      %dma_wait3A_57 = arith.constant 0 : i32
      %dma_wait3A_58 = tpu.memref_slice %arg8[%dma_wait3A_56, %dma_wait3A_57] : memref<128x144xbf16, #tpu.memory_space<vmem>> -> memref<128x144xbf16, #tpu.memory_space<vmem>>
      tpu.wait_dma2 semaphore(%run_scoped3A : memref<!tpu.dma_semaphore, #tpu.memory_space<semaphore_mem>>) src(%dma_wait3A_58 : memref<128x144xbf16, #tpu.memory_space<vmem>>) dst(%dma_wait3A_55 : memref<128x144xbf16, #tpu.memory_space<vmem_shared>>)
      tpu.yield
    }) : () -> ()
    %add3A_2 = arith.constant 128 : i32
    %add3A_3 = arith.addi %mul3A_0, %add3A_2 : i32
    "tpu.region"() ({
      %run_scoped3A = tpu.sem_alloc : memref<!tpu.dma_semaphore, #tpu.memory_space<semaphore_mem>>
      %dma_start3A = arith.constant 0 : i32
      %dma_start3A_41 = arith.constant 0 : i32
      %dma_start3A_42 = tpu.memref_slice %arg8[%dma_start3A, %dma_start3A_41] : memref<128x144xbf16, #tpu.memory_space<vmem>> -> memref<128x144xbf16, #tpu.memory_space<vmem>>
      %dma_start3A_43 = arith.constant 0 : i32
      %dma_start3A_44 = tpu.memref_slice %arg10[%add3A_3, %dma_start3A_43] : memref<10112x144xbf16, #tpu.memory_space<vmem_shared>> -> memref<128x144xbf16, #tpu.memory_space<vmem_shared>>
      %dma_start3A_45 = arith.constant 0 : i32
      %dma_start3A_46 = tpu.memref_slice %arg10[%add3A_3, %dma_start3A_45] : memref<10112x144xbf16, #tpu.memory_space<vmem_shared>> -> memref<128x144xbf16, #tpu.memory_space<vmem_shared>>
      %dma_start3A_47 = arith.constant 0 : i32
      %dma_start3A_48 = arith.constant 0 : i32
      %dma_start3A_49 = tpu.memref_slice %arg8[%dma_start3A_47, %dma_start3A_48] : memref<128x144xbf16, #tpu.memory_space<vmem>> -> memref<128x144xbf16, #tpu.memory_space<vmem>>
      tpu.enqueue_dma source(%dma_start3A_49 : memref<128x144xbf16, #tpu.memory_space<vmem>>) target(%dma_start3A_46 : memref<128x144xbf16, #tpu.memory_space<vmem_shared>>) target_semaphore(%run_scoped3A : memref<!tpu.dma_semaphore, #tpu.memory_space<semaphore_mem>>)
      %dma_wait3A = arith.constant 0 : i32
      %dma_wait3A_50 = arith.constant 0 : i32
      %dma_wait3A_51 = tpu.memref_slice %arg8[%dma_wait3A, %dma_wait3A_50] : memref<128x144xbf16, #tpu.memory_space<vmem>> -> memref<128x144xbf16, #tpu.memory_space<vmem>>
      %dma_wait3A_52 = arith.constant 0 : i32
      %dma_wait3A_53 = tpu.memref_slice %arg10[%add3A_3, %dma_wait3A_52] : memref<10112x144xbf16, #tpu.memory_space<vmem_shared>> -> memref<128x144xbf16, #tpu.memory_space<vmem_shared>>
      %dma_wait3A_54 = arith.constant 0 : i32
      %dma_wait3A_55 = tpu.memref_slice %arg10[%add3A_3, %dma_wait3A_54] : memref<10112x144xbf16, #tpu.memory_space<vmem_shared>> -> memref<128x144xbf16, #tpu.memory_space<vmem_shared>>
      %dma_wait3A_56 = arith.constant 0 : i32
      %dma_wait3A_57 = arith.constant 0 : i32
      %dma_wait3A_58 = tpu.memref_slice %arg8[%dma_wait3A_56, %dma_wait3A_57] : memref<128x144xbf16, #tpu.memory_space<vmem>> -> memref<128x144xbf16, #tpu.memory_space<vmem>>
      tpu.wait_dma2 semaphore(%run_scoped3A : memref<!tpu.dma_semaphore, #tpu.memory_space<semaphore_mem>>) src(%dma_wait3A_58 : memref<128x144xbf16, #tpu.memory_space<vmem>>) dst(%dma_wait3A_55 : memref<128x144xbf16, #tpu.memory_space<vmem_shared>>)
      tpu.yield
    }) : () -> ()
    %add3A_4 = arith.constant 256 : i32
    %add3A_5 = arith.addi %mul3A_0, %add3A_4 : i32
    "tpu.region"() ({
      %run_scoped3A = tpu.sem_alloc : memref<!tpu.dma_semaphore, #tpu.memory_space<semaphore_mem>>
      %dma_start3A = arith.constant 0 : i32
      %dma_start3A_41 = arith.constant 0 : i32
      %dma_start3A_42 = tpu.memref_slice %arg8[%dma_start3A, %dma_start3A_41] : memref<128x144xbf16, #tpu.memory_space<vmem>> -> memref<128x144xbf16, #tpu.memory_space<vmem>>
      %dma_start3A_43 = arith.constant 0 : i32
      %dma_start3A_44 = tpu.memref_slice %arg10[%add3A_5, %dma_start3A_43] : memref<10112x144xbf16, #tpu.memory_space<vmem_shared>> -> memref<128x144xbf16, #tpu.memory_space<vmem_shared>>
      %dma_start3A_45 = arith.constant 0 : i32
      %dma_start3A_46 = tpu.memref_slice %arg10[%add3A_5, %dma_start3A_45] : memref<10112x144xbf16, #tpu.memory_space<vmem_shared>> -> memref<128x144xbf16, #tpu.memory_space<vmem_shared>>
      %dma_start3A_47 = arith.constant 0 : i32
      %dma_start3A_48 = arith.constant 0 : i32
      %dma_start3A_49 = tpu.memref_slice %arg8[%dma_start3A_47, %dma_start3A_48] : memref<128x144xbf16, #tpu.memory_space<vmem>> -> memref<128x144xbf16, #tpu.memory_space<vmem>>
      tpu.enqueue_dma source(%dma_start3A_49 : memref<128x144xbf16, #tpu.memory_space<vmem>>) target(%dma_start3A_46 : memref<128x144xbf16, #tpu.memory_space<vmem_shared>>) target_semaphore(%run_scoped3A : memref<!tpu.dma_semaphore, #tpu.memory_space<semaphore_mem>>)
      %dma_wait3A = arith.constant 0 : i32
      %dma_wait3A_50 = arith.constant 0 : i32
      %dma_wait3A_51 = tpu.memref_slice %arg8[%dma_wait3A, %dma_wait3A_50] : memref<128x144xbf16, #tpu.memory_space<vmem>> -> memref<128x144xbf16, #tpu.memory_space<vmem>>
      %dma_wait3A_52 = arith.constant 0 : i32
      %dma_wait3A_53 = tpu.memref_slice %arg10[%add3A_5, %dma_wait3A_52] : memref<10112x144xbf16, #tpu.memory_space<vmem_shared>> -> memref<128x144xbf16, #tpu.memory_space<vmem_shared>>
      %dma_wait3A_54 = arith.constant 0 : i32
      %dma_wait3A_55 = tpu.memref_slice %arg10[%add3A_5, %dma_wait3A_54] : memref<10112x144xbf16, #tpu.memory_space<vmem_shared>> -> memref<128x144xbf16, #tpu.memory_space<vmem_shared>>
      %dma_wait3A_56 = arith.constant 0 : i32
      %dma_wait3A_57 = arith.constant 0 : i32
      %dma_wait3A_58 = tpu.memref_slice %arg8[%dma_wait3A_56, %dma_wait3A_57] : memref<128x144xbf16, #tpu.memory_space<vmem>> -> memref<128x144xbf16, #tpu.memory_space<vmem>>
      tpu.wait_dma2 semaphore(%run_scoped3A : memref<!tpu.dma_semaphore, #tpu.memory_space<semaphore_mem>>) src(%dma_wait3A_58 : memref<128x144xbf16, #tpu.memory_space<vmem>>) dst(%dma_wait3A_55 : memref<128x144xbf16, #tpu.memory_space<vmem_shared>>)
      tpu.yield
    }) : () -> ()
    %add3A_6 = arith.constant 384 : i32
    %add3A_7 = arith.addi %mul3A_0, %add3A_6 : i32
    "tpu.region"() ({
      %run_scoped3A = tpu.sem_alloc : memref<!tpu.dma_semaphore, #tpu.memory_space<semaphore_mem>>
      %dma_start3A = arith.constant 0 : i32
      %dma_start3A_41 = arith.constant 0 : i32
      %dma_start3A_42 = tpu.memref_slice %arg8[%dma_start3A, %dma_start3A_41] : memref<128x144xbf16, #tpu.memory_space<vmem>> -> memref<128x144xbf16, #tpu.memory_space<vmem>>
      %dma_start3A_43 = arith.constant 0 : i32
      %dma_start3A_44 = tpu.memref_slice %arg10[%add3A_7, %dma_start3A_43] : memref<10112x144xbf16, #tpu.memory_space<vmem_shared>> -> memref<128x144xbf16, #tpu.memory_space<vmem_shared>>
      %dma_start3A_45 = arith.constant 0 : i32
      %dma_start3A_46 = tpu.memref_slice %arg10[%add3A_7, %dma_start3A_45] : memref<10112x144xbf16, #tpu.memory_space<vmem_shared>> -> memref<128x144xbf16, #tpu.memory_space<vmem_shared>>
      %dma_start3A_47 = arith.constant 0 : i32
      %dma_start3A_48 = arith.constant 0 : i32
      %dma_start3A_49 = tpu.memref_slice %arg8[%dma_start3A_47, %dma_start3A_48] : memref<128x144xbf16, #tpu.memory_space<vmem>> -> memref<128x144xbf16, #tpu.memory_space<vmem>>
      tpu.enqueue_dma source(%dma_start3A_49 : memref<128x144xbf16, #tpu.memory_space<vmem>>) target(%dma_start3A_46 : memref<128x144xbf16, #tpu.memory_space<vmem_shared>>) target_semaphore(%run_scoped3A : memref<!tpu.dma_semaphore, #tpu.memory_space<semaphore_mem>>)
      %dma_wait3A = arith.constant 0 : i32
      %dma_wait3A_50 = arith.constant 0 : i32
      %dma_wait3A_51 = tpu.memref_slice %arg8[%dma_wait3A, %dma_wait3A_50] : memref<128x144xbf16, #tpu.memory_space<vmem>> -> memref<128x144xbf16, #tpu.memory_space<vmem>>
      %dma_wait3A_52 = arith.constant 0 : i32
      %dma_wait3A_53 = tpu.memref_slice %arg10[%add3A_7, %dma_wait3A_52] : memref<10112x144xbf16, #tpu.memory_space<vmem_shared>> -> memref<128x144xbf16, #tpu.memory_space<vmem_shared>>
      %dma_wait3A_54 = arith.constant 0 : i32
      %dma_wait3A_55 = tpu.memref_slice %arg10[%add3A_7, %dma_wait3A_54] : memref<10112x144xbf16, #tpu.memory_space<vmem_shared>> -> memref<128x144xbf16, #tpu.memory_space<vmem_shared>>
      %dma_wait3A_56 = arith.constant 0 : i32
      %dma_wait3A_57 = arith.constant 0 : i32
      %dma_wait3A_58 = tpu.memref_slice %arg8[%dma_wait3A_56, %dma_wait3A_57] : memref<128x144xbf16, #tpu.memory_space<vmem>> -> memref<128x144xbf16, #tpu.memory_space<vmem>>
      tpu.wait_dma2 semaphore(%run_scoped3A : memref<!tpu.dma_semaphore, #tpu.memory_space<semaphore_mem>>) src(%dma_wait3A_58 : memref<128x144xbf16, #tpu.memory_space<vmem>>) dst(%dma_wait3A_55 : memref<128x144xbf16, #tpu.memory_space<vmem_shared>>)
      tpu.yield
    }) : () -> ()
    %add3A_8 = arith.constant 512 : i32
    %add3A_9 = arith.addi %mul3A_0, %add3A_8 : i32
    "tpu.region"() ({
      %run_scoped3A = tpu.sem_alloc : memref<!tpu.dma_semaphore, #tpu.memory_space<semaphore_mem>>
      %dma_start3A = arith.constant 0 : i32
      %dma_start3A_41 = arith.constant 0 : i32
      %dma_start3A_42 = tpu.memref_slice %arg8[%dma_start3A, %dma_start3A_41] : memref<128x144xbf16, #tpu.memory_space<vmem>> -> memref<120x144xbf16, #tpu.memory_space<vmem>>
      %dma_start3A_43 = arith.constant 0 : i32
      %dma_start3A_44 = tpu.memref_slice %arg10[%add3A_9, %dma_start3A_43] : memref<10112x144xbf16, #tpu.memory_space<vmem_shared>> -> memref<120x144xbf16, #tpu.memory_space<vmem_shared>>
      %dma_start3A_45 = arith.constant 0 : i32
      %dma_start3A_46 = tpu.memref_slice %arg10[%add3A_9, %dma_start3A_45] : memref<10112x144xbf16, #tpu.memory_space<vmem_shared>> -> memref<120x144xbf16, #tpu.memory_space<vmem_shared>>
      %dma_start3A_47 = arith.constant 0 : i32
      %dma_start3A_48 = arith.constant 0 : i32
      %dma_start3A_49 = tpu.memref_slice %arg8[%dma_start3A_47, %dma_start3A_48] : memref<128x144xbf16, #tpu.memory_space<vmem>> -> memref<120x144xbf16, #tpu.memory_space<vmem>>
      tpu.enqueue_dma source(%dma_start3A_49 : memref<120x144xbf16, #tpu.memory_space<vmem>>) target(%dma_start3A_46 : memref<120x144xbf16, #tpu.memory_space<vmem_shared>>) target_semaphore(%run_scoped3A : memref<!tpu.dma_semaphore, #tpu.memory_space<semaphore_mem>>)
      %dma_wait3A = arith.constant 0 : i32
      %dma_wait3A_50 = arith.constant 0 : i32
      %dma_wait3A_51 = tpu.memref_slice %arg8[%dma_wait3A, %dma_wait3A_50] : memref<128x144xbf16, #tpu.memory_space<vmem>> -> memref<120x144xbf16, #tpu.memory_space<vmem>>
      %dma_wait3A_52 = arith.constant 0 : i32
      %dma_wait3A_53 = tpu.memref_slice %arg10[%add3A_9, %dma_wait3A_52] : memref<10112x144xbf16, #tpu.memory_space<vmem_shared>> -> memref<120x144xbf16, #tpu.memory_space<vmem_shared>>
      %dma_wait3A_54 = arith.constant 0 : i32
      %dma_wait3A_55 = tpu.memref_slice %arg10[%add3A_9, %dma_wait3A_54] : memref<10112x144xbf16, #tpu.memory_space<vmem_shared>> -> memref<120x144xbf16, #tpu.memory_space<vmem_shared>>
      %dma_wait3A_56 = arith.constant 0 : i32
      %dma_wait3A_57 = arith.constant 0 : i32
      %dma_wait3A_58 = tpu.memref_slice %arg8[%dma_wait3A_56, %dma_wait3A_57] : memref<128x144xbf16, #tpu.memory_space<vmem>> -> memref<120x144xbf16, #tpu.memory_space<vmem>>
      tpu.wait_dma2 semaphore(%run_scoped3A : memref<!tpu.dma_semaphore, #tpu.memory_space<semaphore_mem>>) src(%dma_wait3A_58 : memref<120x144xbf16, #tpu.memory_space<vmem>>) dst(%dma_wait3A_55 : memref<120x144xbf16, #tpu.memory_space<vmem_shared>>)
      tpu.yield
    }) : () -> ()
    %barrier3A = arith.constant 0 : index
    tpu.barrier barrier_id(%barrier3A)
    %mul3A_10 = arith.constant 2528 : i32
    %mul3A_11 = arith.muli %arg0, %mul3A_10 : i32
    %mul3A_12 = arith.constant 158 : i32
    %mul3A_13 = arith.muli %arg1, %mul3A_12 : i32
    %add3A_14 = arith.addi %mul3A_11, %mul3A_13 : i32
    %scan3A = arith.constant 0 : i32
    %scan3A_15 = arith.constant 0 : i32
    %scan3A_16 = arith.constant 158 : i32
    %scan3A_17 = arith.addi %scan3A_15, %scan3A_16 : i32
    %scan3A_18 = arith.constant 1 : i32
    scf.for %scan3A_41 = %scan3A_15 to %scan3A_17 step %scan3A_18  : i32 {
      %add3A_42 = arith.addi %add3A_14, %scan3A_41 : i32
      "tpu.region"() ({
        %run_scoped3A = tpu.sem_alloc : memref<!tpu.dma_semaphore, #tpu.memory_space<semaphore_mem>>
        %dma_start3A_55 = arith.constant 0 : i32
        %dma_start3A_56 = arith.constant 0 : i32
        %dma_start3A_57 = tpu.memref_slice %arg3[%add3A_42, %dma_start3A_55, %dma_start3A_56] : memref<5056x2x128xi32, #tpu.memory_space<hbm>> -> memref<1x2x128xi32, #tpu.memory_space<hbm>>
        %dma_start3A_58 = tpu.memref_squeeze %dma_start3A_57 : memref<1x2x128xi32, #tpu.memory_space<hbm>> -> memref<2x128xi32, #tpu.memory_space<hbm>>
        %dma_start3A_59 = arith.constant 0 : i32
        %dma_start3A_60 = arith.constant 0 : i32
        %dma_start3A_61 = tpu.memref_slice %arg3[%add3A_42, %dma_start3A_59, %dma_start3A_60] : memref<5056x2x128xi32, #tpu.memory_space<hbm>> -> memref<1x2x128xi32, #tpu.memory_space<hbm>>
        %dma_start3A_62 = tpu.memref_squeeze %dma_start3A_61 : memref<1x2x128xi32, #tpu.memory_space<hbm>> -> memref<2x128xi32, #tpu.memory_space<hbm>>
        tpu.enqueue_dma source(%dma_start3A_62 : memref<2x128xi32, #tpu.memory_space<hbm>>) target(%arg6 : memref<2x128xi32, #tpu.memory_space<vmem>>) target_semaphore(%run_scoped3A : memref<!tpu.dma_semaphore, #tpu.memory_space<semaphore_mem>>)
        %dma_wait3A_63 = arith.constant 0 : i32
        %dma_wait3A_64 = arith.constant 0 : i32
        %dma_wait3A_65 = tpu.memref_slice %arg3[%add3A_42, %dma_wait3A_63, %dma_wait3A_64] : memref<5056x2x128xi32, #tpu.memory_space<hbm>> -> memref<1x2x128xi32, #tpu.memory_space<hbm>>
        %dma_wait3A_66 = tpu.memref_squeeze %dma_wait3A_65 : memref<1x2x128xi32, #tpu.memory_space<hbm>> -> memref<2x128xi32, #tpu.memory_space<hbm>>
        %dma_wait3A_67 = arith.constant 0 : i32
        %dma_wait3A_68 = arith.constant 0 : i32
        %dma_wait3A_69 = tpu.memref_slice %arg3[%add3A_42, %dma_wait3A_67, %dma_wait3A_68] : memref<5056x2x128xi32, #tpu.memory_space<hbm>> -> memref<1x2x128xi32, #tpu.memory_space<hbm>>
        %dma_wait3A_70 = tpu.memref_squeeze %dma_wait3A_69 : memref<1x2x128xi32, #tpu.memory_space<hbm>> -> memref<2x128xi32, #tpu.memory_space<hbm>>
        tpu.wait_dma2 semaphore(%run_scoped3A : memref<!tpu.dma_semaphore, #tpu.memory_space<semaphore_mem>>) src(%dma_wait3A_70 : memref<2x128xi32, #tpu.memory_space<hbm>>) dst(%arg6 : memref<2x128xi32, #tpu.memory_space<vmem>>)
        tpu.yield
      }) : () -> ()
      %dma_start3A = arith.constant 0 : i32
      %dma_start3A_43 = arith.constant 0 : i32
      %dma_start3A_44 = tpu.memref_slice %arg6[%dma_start3A, %dma_start3A_43] : memref<2x128xi32, #tpu.memory_space<vmem>> -> memref<1x128xi32, #tpu.memory_space<vmem>>
      %dma_start3A_45 = tpu.memref_squeeze %dma_start3A_44 : memref<1x128xi32, #tpu.memory_space<vmem>> -> memref<128xi32, #tpu.memory_space<vmem>>
      %dma_start3A_46 = arith.constant 0 : i32
      %dma_start3A_47 = arith.constant 0 : i32
      %dma_start3A_48 = tpu.memref_slice %arg2[%dma_start3A_46, %dma_start3A_47] : memref<20000x144xbf16, #tpu.memory_space<hbm>> -> memref<20000x144xbf16, #tpu.memory_space<hbm>>
      tpu.enqueue_indirect_dma source(%dma_start3A_48 : memref<20000x144xbf16, #tpu.memory_space<hbm>>) target(%arg8 : memref<128x144xbf16, #tpu.memory_space<vmem>>) offsets(%dma_start3A_45 : memref<128xi32, #tpu.memory_space<vmem>>) semaphore(%arg11 : memref<!tpu.dma_semaphore, #tpu.memory_space<semaphore_mem>>)
      %dma_wait3A = arith.constant 0 : i32
      %dma_wait3A_49 = arith.constant 0 : i32
      %dma_wait3A_50 = tpu.memref_slice %arg6[%dma_wait3A, %dma_wait3A_49] : memref<2x128xi32, #tpu.memory_space<vmem>> -> memref<1x128xi32, #tpu.memory_space<vmem>>
      %dma_wait3A_51 = tpu.memref_squeeze %dma_wait3A_50 : memref<1x128xi32, #tpu.memory_space<vmem>> -> memref<128xi32, #tpu.memory_space<vmem>>
      %dma_wait3A_52 = arith.constant 0 : i32
      %dma_wait3A_53 = arith.constant 0 : i32
      %dma_wait3A_54 = tpu.memref_slice %arg2[%dma_wait3A_52, %dma_wait3A_53] : memref<20000x144xbf16, #tpu.memory_space<hbm>> -> memref<20000x144xbf16, #tpu.memory_space<hbm>>
      tpu.wait_indirect_dma semaphore(%arg11 : memref<!tpu.dma_semaphore, #tpu.memory_space<semaphore_mem>>) src(%dma_wait3A_54 : memref<20000x144xbf16, #tpu.memory_space<hbm>>) dst(%arg8 : memref<128x144xbf16, #tpu.memory_space<vmem>>)
    }
    %scan3A_19 = arith.constant 158 : i32
    %barrier3A_20 = arith.constant 0 : index
    tpu.barrier barrier_id(%barrier3A_20)
    %add3A_21 = arith.constant 0 : i32
    %add3A_22 = arith.addi %mul3A_0, %add3A_21 : i32
    "tpu.region"() ({
      %run_scoped3A = tpu.sem_alloc : memref<!tpu.dma_semaphore, #tpu.memory_space<semaphore_mem>>
      %dma_start3A = arith.constant 0 : i32
      %dma_start3A_41 = arith.constant 0 : i32
      %dma_start3A_42 = tpu.memref_slice %arg8[%dma_start3A, %dma_start3A_41] : memref<128x144xbf16, #tpu.memory_space<vmem>> -> memref<128x144xbf16, #tpu.memory_space<vmem>>
      %dma_start3A_43 = arith.constant 0 : i32
      %dma_start3A_44 = tpu.memref_slice %arg10[%add3A_22, %dma_start3A_43] : memref<10112x144xbf16, #tpu.memory_space<vmem_shared>> -> memref<128x144xbf16, #tpu.memory_space<vmem_shared>>
      %dma_start3A_45 = arith.constant 0 : i32
      %dma_start3A_46 = arith.constant 0 : i32
      %dma_start3A_47 = tpu.memref_slice %arg8[%dma_start3A_45, %dma_start3A_46] : memref<128x144xbf16, #tpu.memory_space<vmem>> -> memref<128x144xbf16, #tpu.memory_space<vmem>>
      %dma_start3A_48 = arith.constant 0 : i32
      %dma_start3A_49 = tpu.memref_slice %arg10[%add3A_22, %dma_start3A_48] : memref<10112x144xbf16, #tpu.memory_space<vmem_shared>> -> memref<128x144xbf16, #tpu.memory_space<vmem_shared>>
      tpu.enqueue_dma source(%dma_start3A_49 : memref<128x144xbf16, #tpu.memory_space<vmem_shared>>) target(%dma_start3A_47 : memref<128x144xbf16, #tpu.memory_space<vmem>>) target_semaphore(%run_scoped3A : memref<!tpu.dma_semaphore, #tpu.memory_space<semaphore_mem>>)
      %dma_wait3A = arith.constant 0 : i32
      %dma_wait3A_50 = arith.constant 0 : i32
      %dma_wait3A_51 = tpu.memref_slice %arg8[%dma_wait3A, %dma_wait3A_50] : memref<128x144xbf16, #tpu.memory_space<vmem>> -> memref<128x144xbf16, #tpu.memory_space<vmem>>
      %dma_wait3A_52 = arith.constant 0 : i32
      %dma_wait3A_53 = tpu.memref_slice %arg10[%add3A_22, %dma_wait3A_52] : memref<10112x144xbf16, #tpu.memory_space<vmem_shared>> -> memref<128x144xbf16, #tpu.memory_space<vmem_shared>>
      %dma_wait3A_54 = arith.constant 0 : i32
      %dma_wait3A_55 = arith.constant 0 : i32
      %dma_wait3A_56 = tpu.memref_slice %arg8[%dma_wait3A_54, %dma_wait3A_55] : memref<128x144xbf16, #tpu.memory_space<vmem>> -> memref<128x144xbf16, #tpu.memory_space<vmem>>
      %dma_wait3A_57 = arith.constant 0 : i32
      %dma_wait3A_58 = tpu.memref_slice %arg10[%add3A_22, %dma_wait3A_57] : memref<10112x144xbf16, #tpu.memory_space<vmem_shared>> -> memref<128x144xbf16, #tpu.memory_space<vmem_shared>>
      tpu.wait_dma2 semaphore(%run_scoped3A : memref<!tpu.dma_semaphore, #tpu.memory_space<semaphore_mem>>) src(%dma_wait3A_58 : memref<128x144xbf16, #tpu.memory_space<vmem_shared>>) dst(%dma_wait3A_56 : memref<128x144xbf16, #tpu.memory_space<vmem>>)
      tpu.yield
    }) : () -> ()
    %add3A_23 = arith.constant 0 : i32
    %add3A_24 = arith.addi %mul3A_0, %add3A_23 : i32
    "tpu.region"() ({
      %run_scoped3A = tpu.sem_alloc : memref<!tpu.dma_semaphore, #tpu.memory_space<semaphore_mem>>
      %dma_start3A = arith.constant 0 : i32
      %dma_start3A_41 = arith.constant 0 : i32
      %dma_start3A_42 = tpu.memref_slice %arg8[%dma_start3A, %dma_start3A_41] : memref<128x144xbf16, #tpu.memory_space<vmem>> -> memref<128x144xbf16, #tpu.memory_space<vmem>>
      %dma_start3A_43 = arith.constant 0 : i32
      %dma_start3A_44 = tpu.memref_slice %arg5[%arg0, %add3A_24, %dma_start3A_43] : memref<2x10112x144xbf16, #tpu.memory_space<hbm>> -> memref<1x128x144xbf16, #tpu.memory_space<hbm>>
      %dma_start3A_45 = tpu.memref_squeeze %dma_start3A_44 : memref<1x128x144xbf16, #tpu.memory_space<hbm>> -> memref<128x144xbf16, #tpu.memory_space<hbm>>
      %dma_start3A_46 = arith.constant 0 : i32
      %dma_start3A_47 = tpu.memref_slice %arg5[%arg0, %add3A_24, %dma_start3A_46] : memref<2x10112x144xbf16, #tpu.memory_space<hbm>> -> memref<1x128x144xbf16, #tpu.memory_space<hbm>>
      %dma_start3A_48 = tpu.memref_squeeze %dma_start3A_47 : memref<1x128x144xbf16, #tpu.memory_space<hbm>> -> memref<128x144xbf16, #tpu.memory_space<hbm>>
      %dma_start3A_49 = arith.constant 0 : i32
      %dma_start3A_50 = arith.constant 0 : i32
      %dma_start3A_51 = tpu.memref_slice %arg8[%dma_start3A_49, %dma_start3A_50] : memref<128x144xbf16, #tpu.memory_space<vmem>> -> memref<128x144xbf16, #tpu.memory_space<vmem>>
      tpu.enqueue_dma source(%dma_start3A_51 : memref<128x144xbf16, #tpu.memory_space<vmem>>) target(%dma_start3A_48 : memref<128x144xbf16, #tpu.memory_space<hbm>>) target_semaphore(%run_scoped3A : memref<!tpu.dma_semaphore, #tpu.memory_space<semaphore_mem>>)
      %dma_wait3A = arith.constant 0 : i32
      %dma_wait3A_52 = arith.constant 0 : i32
      %dma_wait3A_53 = tpu.memref_slice %arg8[%dma_wait3A, %dma_wait3A_52] : memref<128x144xbf16, #tpu.memory_space<vmem>> -> memref<128x144xbf16, #tpu.memory_space<vmem>>
      %dma_wait3A_54 = arith.constant 0 : i32
      %dma_wait3A_55 = tpu.memref_slice %arg5[%arg0, %add3A_24, %dma_wait3A_54] : memref<2x10112x144xbf16, #tpu.memory_space<hbm>> -> memref<1x128x144xbf16, #tpu.memory_space<hbm>>
      %dma_wait3A_56 = tpu.memref_squeeze %dma_wait3A_55 : memref<1x128x144xbf16, #tpu.memory_space<hbm>> -> memref<128x144xbf16, #tpu.memory_space<hbm>>
      %dma_wait3A_57 = arith.constant 0 : i32
      %dma_wait3A_58 = tpu.memref_slice %arg5[%arg0, %add3A_24, %dma_wait3A_57] : memref<2x10112x144xbf16, #tpu.memory_space<hbm>> -> memref<1x128x144xbf16, #tpu.memory_space<hbm>>
      %dma_wait3A_59 = tpu.memref_squeeze %dma_wait3A_58 : memref<1x128x144xbf16, #tpu.memory_space<hbm>> -> memref<128x144xbf16, #tpu.memory_space<hbm>>
      %dma_wait3A_60 = arith.constant 0 : i32
      %dma_wait3A_61 = arith.constant 0 : i32
      %dma_wait3A_62 = tpu.memref_slice %arg8[%dma_wait3A_60, %dma_wait3A_61] : memref<128x144xbf16, #tpu.memory_space<vmem>> -> memref<128x144xbf16, #tpu.memory_space<vmem>>
      tpu.wait_dma2 semaphore(%run_scoped3A : memref<!tpu.dma_semaphore, #tpu.memory_space<semaphore_mem>>) src(%dma_wait3A_62 : memref<128x144xbf16, #tpu.memory_space<vmem>>) dst(%dma_wait3A_59 : memref<128x144xbf16, #tpu.memory_space<hbm>>)
      tpu.yield
    }) : () -> ()
    %add3A_25 = arith.constant 128 : i32
    %add3A_26 = arith.addi %mul3A_0, %add3A_25 : i32
    "tpu.region"() ({
      %run_scoped3A = tpu.sem_alloc : memref<!tpu.dma_semaphore, #tpu.memory_space<semaphore_mem>>
      %dma_start3A = arith.constant 0 : i32
      %dma_start3A_41 = arith.constant 0 : i32
      %dma_start3A_42 = tpu.memref_slice %arg8[%dma_start3A, %dma_start3A_41] : memref<128x144xbf16, #tpu.memory_space<vmem>> -> memref<128x144xbf16, #tpu.memory_space<vmem>>
      %dma_start3A_43 = arith.constant 0 : i32
      %dma_start3A_44 = tpu.memref_slice %arg10[%add3A_26, %dma_start3A_43] : memref<10112x144xbf16, #tpu.memory_space<vmem_shared>> -> memref<128x144xbf16, #tpu.memory_space<vmem_shared>>
      %dma_start3A_45 = arith.constant 0 : i32
      %dma_start3A_46 = arith.constant 0 : i32
      %dma_start3A_47 = tpu.memref_slice %arg8[%dma_start3A_45, %dma_start3A_46] : memref<128x144xbf16, #tpu.memory_space<vmem>> -> memref<128x144xbf16, #tpu.memory_space<vmem>>
      %dma_start3A_48 = arith.constant 0 : i32
      %dma_start3A_49 = tpu.memref_slice %arg10[%add3A_26, %dma_start3A_48] : memref<10112x144xbf16, #tpu.memory_space<vmem_shared>> -> memref<128x144xbf16, #tpu.memory_space<vmem_shared>>
      tpu.enqueue_dma source(%dma_start3A_49 : memref<128x144xbf16, #tpu.memory_space<vmem_shared>>) target(%dma_start3A_47 : memref<128x144xbf16, #tpu.memory_space<vmem>>) target_semaphore(%run_scoped3A : memref<!tpu.dma_semaphore, #tpu.memory_space<semaphore_mem>>)
      %dma_wait3A = arith.constant 0 : i32
      %dma_wait3A_50 = arith.constant 0 : i32
      %dma_wait3A_51 = tpu.memref_slice %arg8[%dma_wait3A, %dma_wait3A_50] : memref<128x144xbf16, #tpu.memory_space<vmem>> -> memref<128x144xbf16, #tpu.memory_space<vmem>>
      %dma_wait3A_52 = arith.constant 0 : i32
      %dma_wait3A_53 = tpu.memref_slice %arg10[%add3A_26, %dma_wait3A_52] : memref<10112x144xbf16, #tpu.memory_space<vmem_shared>> -> memref<128x144xbf16, #tpu.memory_space<vmem_shared>>
      %dma_wait3A_54 = arith.constant 0 : i32
      %dma_wait3A_55 = arith.constant 0 : i32
      %dma_wait3A_56 = tpu.memref_slice %arg8[%dma_wait3A_54, %dma_wait3A_55] : memref<128x144xbf16, #tpu.memory_space<vmem>> -> memref<128x144xbf16, #tpu.memory_space<vmem>>
      %dma_wait3A_57 = arith.constant 0 : i32
      %dma_wait3A_58 = tpu.memref_slice %arg10[%add3A_26, %dma_wait3A_57] : memref<10112x144xbf16, #tpu.memory_space<vmem_shared>> -> memref<128x144xbf16, #tpu.memory_space<vmem_shared>>
      tpu.wait_dma2 semaphore(%run_scoped3A : memref<!tpu.dma_semaphore, #tpu.memory_space<semaphore_mem>>) src(%dma_wait3A_58 : memref<128x144xbf16, #tpu.memory_space<vmem_shared>>) dst(%dma_wait3A_56 : memref<128x144xbf16, #tpu.memory_space<vmem>>)
      tpu.yield
    }) : () -> ()
    %add3A_27 = arith.constant 128 : i32
    %add3A_28 = arith.addi %mul3A_0, %add3A_27 : i32
    "tpu.region"() ({
      %run_scoped3A = tpu.sem_alloc : memref<!tpu.dma_semaphore, #tpu.memory_space<semaphore_mem>>
      %dma_start3A = arith.constant 0 : i32
      %dma_start3A_41 = arith.constant 0 : i32
      %dma_start3A_42 = tpu.memref_slice %arg8[%dma_start3A, %dma_start3A_41] : memref<128x144xbf16, #tpu.memory_space<vmem>> -> memref<128x144xbf16, #tpu.memory_space<vmem>>
      %dma_start3A_43 = arith.constant 0 : i32
      %dma_start3A_44 = tpu.memref_slice %arg5[%arg0, %add3A_28, %dma_start3A_43] : memref<2x10112x144xbf16, #tpu.memory_space<hbm>> -> memref<1x128x144xbf16, #tpu.memory_space<hbm>>
      %dma_start3A_45 = tpu.memref_squeeze %dma_start3A_44 : memref<1x128x144xbf16, #tpu.memory_space<hbm>> -> memref<128x144xbf16, #tpu.memory_space<hbm>>
      %dma_start3A_46 = arith.constant 0 : i32
      %dma_start3A_47 = tpu.memref_slice %arg5[%arg0, %add3A_28, %dma_start3A_46] : memref<2x10112x144xbf16, #tpu.memory_space<hbm>> -> memref<1x128x144xbf16, #tpu.memory_space<hbm>>
      %dma_start3A_48 = tpu.memref_squeeze %dma_start3A_47 : memref<1x128x144xbf16, #tpu.memory_space<hbm>> -> memref<128x144xbf16, #tpu.memory_space<hbm>>
      %dma_start3A_49 = arith.constant 0 : i32
      %dma_start3A_50 = arith.constant 0 : i32
      %dma_start3A_51 = tpu.memref_slice %arg8[%dma_start3A_49, %dma_start3A_50] : memref<128x144xbf16, #tpu.memory_space<vmem>> -> memref<128x144xbf16, #tpu.memory_space<vmem>>
      tpu.enqueue_dma source(%dma_start3A_51 : memref<128x144xbf16, #tpu.memory_space<vmem>>) target(%dma_start3A_48 : memref<128x144xbf16, #tpu.memory_space<hbm>>) target_semaphore(%run_scoped3A : memref<!tpu.dma_semaphore, #tpu.memory_space<semaphore_mem>>)
      %dma_wait3A = arith.constant 0 : i32
      %dma_wait3A_52 = arith.constant 0 : i32
      %dma_wait3A_53 = tpu.memref_slice %arg8[%dma_wait3A, %dma_wait3A_52] : memref<128x144xbf16, #tpu.memory_space<vmem>> -> memref<128x144xbf16, #tpu.memory_space<vmem>>
      %dma_wait3A_54 = arith.constant 0 : i32
      %dma_wait3A_55 = tpu.memref_slice %arg5[%arg0, %add3A_28, %dma_wait3A_54] : memref<2x10112x144xbf16, #tpu.memory_space<hbm>> -> memref<1x128x144xbf16, #tpu.memory_space<hbm>>
      %dma_wait3A_56 = tpu.memref_squeeze %dma_wait3A_55 : memref<1x128x144xbf16, #tpu.memory_space<hbm>> -> memref<128x144xbf16, #tpu.memory_space<hbm>>
      %dma_wait3A_57 = arith.constant 0 : i32
      %dma_wait3A_58 = tpu.memref_slice %arg5[%arg0, %add3A_28, %dma_wait3A_57] : memref<2x10112x144xbf16, #tpu.memory_space<hbm>> -> memref<1x128x144xbf16, #tpu.memory_space<hbm>>
      %dma_wait3A_59 = tpu.memref_squeeze %dma_wait3A_58 : memref<1x128x144xbf16, #tpu.memory_space<hbm>> -> memref<128x144xbf16, #tpu.memory_space<hbm>>
      %dma_wait3A_60 = arith.constant 0 : i32
      %dma_wait3A_61 = arith.constant 0 : i32
      %dma_wait3A_62 = tpu.memref_slice %arg8[%dma_wait3A_60, %dma_wait3A_61] : memref<128x144xbf16, #tpu.memory_space<vmem>> -> memref<128x144xbf16, #tpu.memory_space<vmem>>
      tpu.wait_dma2 semaphore(%run_scoped3A : memref<!tpu.dma_semaphore, #tpu.memory_space<semaphore_mem>>) src(%dma_wait3A_62 : memref<128x144xbf16, #tpu.memory_space<vmem>>) dst(%dma_wait3A_59 : memref<128x144xbf16, #tpu.memory_space<hbm>>)
      tpu.yield
    }) : () -> ()
    %add3A_29 = arith.constant 256 : i32
    %add3A_30 = arith.addi %mul3A_0, %add3A_29 : i32
    "tpu.region"() ({
      %run_scoped3A = tpu.sem_alloc : memref<!tpu.dma_semaphore, #tpu.memory_space<semaphore_mem>>
      %dma_start3A = arith.constant 0 : i32
      %dma_start3A_41 = arith.constant 0 : i32
      %dma_start3A_42 = tpu.memref_slice %arg8[%dma_start3A, %dma_start3A_41] : memref<128x144xbf16, #tpu.memory_space<vmem>> -> memref<128x144xbf16, #tpu.memory_space<vmem>>
      %dma_start3A_43 = arith.constant 0 : i32
      %dma_start3A_44 = tpu.memref_slice %arg10[%add3A_30, %dma_start3A_43] : memref<10112x144xbf16, #tpu.memory_space<vmem_shared>> -> memref<128x144xbf16, #tpu.memory_space<vmem_shared>>
      %dma_start3A_45 = arith.constant 0 : i32
      %dma_start3A_46 = arith.constant 0 : i32
      %dma_start3A_47 = tpu.memref_slice %arg8[%dma_start3A_45, %dma_start3A_46] : memref<128x144xbf16, #tpu.memory_space<vmem>> -> memref<128x144xbf16, #tpu.memory_space<vmem>>
      %dma_start3A_48 = arith.constant 0 : i32
      %dma_start3A_49 = tpu.memref_slice %arg10[%add3A_30, %dma_start3A_48] : memref<10112x144xbf16, #tpu.memory_space<vmem_shared>> -> memref<128x144xbf16, #tpu.memory_space<vmem_shared>>
      tpu.enqueue_dma source(%dma_start3A_49 : memref<128x144xbf16, #tpu.memory_space<vmem_shared>>) target(%dma_start3A_47 : memref<128x144xbf16, #tpu.memory_space<vmem>>) target_semaphore(%run_scoped3A : memref<!tpu.dma_semaphore, #tpu.memory_space<semaphore_mem>>)
      %dma_wait3A = arith.constant 0 : i32
      %dma_wait3A_50 = arith.constant 0 : i32
      %dma_wait3A_51 = tpu.memref_slice %arg8[%dma_wait3A, %dma_wait3A_50] : memref<128x144xbf16, #tpu.memory_space<vmem>> -> memref<128x144xbf16, #tpu.memory_space<vmem>>
      %dma_wait3A_52 = arith.constant 0 : i32
      %dma_wait3A_53 = tpu.memref_slice %arg10[%add3A_30, %dma_wait3A_52] : memref<10112x144xbf16, #tpu.memory_space<vmem_shared>> -> memref<128x144xbf16, #tpu.memory_space<vmem_shared>>
      %dma_wait3A_54 = arith.constant 0 : i32
      %dma_wait3A_55 = arith.constant 0 : i32
      %dma_wait3A_56 = tpu.memref_slice %arg8[%dma_wait3A_54, %dma_wait3A_55] : memref<128x144xbf16, #tpu.memory_space<vmem>> -> memref<128x144xbf16, #tpu.memory_space<vmem>>
      %dma_wait3A_57 = arith.constant 0 : i32
      %dma_wait3A_58 = tpu.memref_slice %arg10[%add3A_30, %dma_wait3A_57] : memref<10112x144xbf16, #tpu.memory_space<vmem_shared>> -> memref<128x144xbf16, #tpu.memory_space<vmem_shared>>
      tpu.wait_dma2 semaphore(%run_scoped3A : memref<!tpu.dma_semaphore, #tpu.memory_space<semaphore_mem>>) src(%dma_wait3A_58 : memref<128x144xbf16, #tpu.memory_space<vmem_shared>>) dst(%dma_wait3A_56 : memref<128x144xbf16, #tpu.memory_space<vmem>>)
      tpu.yield
    }) : () -> ()
    %add3A_31 = arith.constant 256 : i32
    %add3A_32 = arith.addi %mul3A_0, %add3A_31 : i32
    "tpu.region"() ({
      %run_scoped3A = tpu.sem_alloc : memref<!tpu.dma_semaphore, #tpu.memory_space<semaphore_mem>>
      %dma_start3A = arith.constant 0 : i32
      %dma_start3A_41 = arith.constant 0 : i32
      %dma_start3A_42 = tpu.memref_slice %arg8[%dma_start3A, %dma_start3A_41] : memref<128x144xbf16, #tpu.memory_space<vmem>> -> memref<128x144xbf16, #tpu.memory_space<vmem>>
      %dma_start3A_43 = arith.constant 0 : i32
      %dma_start3A_44 = tpu.memref_slice %arg5[%arg0, %add3A_32, %dma_start3A_43] : memref<2x10112x144xbf16, #tpu.memory_space<hbm>> -> memref<1x128x144xbf16, #tpu.memory_space<hbm>>
      %dma_start3A_45 = tpu.memref_squeeze %dma_start3A_44 : memref<1x128x144xbf16, #tpu.memory_space<hbm>> -> memref<128x144xbf16, #tpu.memory_space<hbm>>
      %dma_start3A_46 = arith.constant 0 : i32
      %dma_start3A_47 = tpu.memref_slice %arg5[%arg0, %add3A_32, %dma_start3A_46] : memref<2x10112x144xbf16, #tpu.memory_space<hbm>> -> memref<1x128x144xbf16, #tpu.memory_space<hbm>>
      %dma_start3A_48 = tpu.memref_squeeze %dma_start3A_47 : memref<1x128x144xbf16, #tpu.memory_space<hbm>> -> memref<128x144xbf16, #tpu.memory_space<hbm>>
      %dma_start3A_49 = arith.constant 0 : i32
      %dma_start3A_50 = arith.constant 0 : i32
      %dma_start3A_51 = tpu.memref_slice %arg8[%dma_start3A_49, %dma_start3A_50] : memref<128x144xbf16, #tpu.memory_space<vmem>> -> memref<128x144xbf16, #tpu.memory_space<vmem>>
      tpu.enqueue_dma source(%dma_start3A_51 : memref<128x144xbf16, #tpu.memory_space<vmem>>) target(%dma_start3A_48 : memref<128x144xbf16, #tpu.memory_space<hbm>>) target_semaphore(%run_scoped3A : memref<!tpu.dma_semaphore, #tpu.memory_space<semaphore_mem>>)
      %dma_wait3A = arith.constant 0 : i32
      %dma_wait3A_52 = arith.constant 0 : i32
      %dma_wait3A_53 = tpu.memref_slice %arg8[%dma_wait3A, %dma_wait3A_52] : memref<128x144xbf16, #tpu.memory_space<vmem>> -> memref<128x144xbf16, #tpu.memory_space<vmem>>
      %dma_wait3A_54 = arith.constant 0 : i32
      %dma_wait3A_55 = tpu.memref_slice %arg5[%arg0, %add3A_32, %dma_wait3A_54] : memref<2x10112x144xbf16, #tpu.memory_space<hbm>> -> memref<1x128x144xbf16, #tpu.memory_space<hbm>>
      %dma_wait3A_56 = tpu.memref_squeeze %dma_wait3A_55 : memref<1x128x144xbf16, #tpu.memory_space<hbm>> -> memref<128x144xbf16, #tpu.memory_space<hbm>>
      %dma_wait3A_57 = arith.constant 0 : i32
      %dma_wait3A_58 = tpu.memref_slice %arg5[%arg0, %add3A_32, %dma_wait3A_57] : memref<2x10112x144xbf16, #tpu.memory_space<hbm>> -> memref<1x128x144xbf16, #tpu.memory_space<hbm>>
      %dma_wait3A_59 = tpu.memref_squeeze %dma_wait3A_58 : memref<1x128x144xbf16, #tpu.memory_space<hbm>> -> memref<128x144xbf16, #tpu.memory_space<hbm>>
      %dma_wait3A_60 = arith.constant 0 : i32
      %dma_wait3A_61 = arith.constant 0 : i32
      %dma_wait3A_62 = tpu.memref_slice %arg8[%dma_wait3A_60, %dma_wait3A_61] : memref<128x144xbf16, #tpu.memory_space<vmem>> -> memref<128x144xbf16, #tpu.memory_space<vmem>>
      tpu.wait_dma2 semaphore(%run_scoped3A : memref<!tpu.dma_semaphore, #tpu.memory_space<semaphore_mem>>) src(%dma_wait3A_62 : memref<128x144xbf16, #tpu.memory_space<vmem>>) dst(%dma_wait3A_59 : memref<128x144xbf16, #tpu.memory_space<hbm>>)
      tpu.yield
    }) : () -> ()
    %add3A_33 = arith.constant 384 : i32
    %add3A_34 = arith.addi %mul3A_0, %add3A_33 : i32
    "tpu.region"() ({
      %run_scoped3A = tpu.sem_alloc : memref<!tpu.dma_semaphore, #tpu.memory_space<semaphore_mem>>
      %dma_start3A = arith.constant 0 : i32
      %dma_start3A_41 = arith.constant 0 : i32
      %dma_start3A_42 = tpu.memref_slice %arg8[%dma_start3A, %dma_start3A_41] : memref<128x144xbf16, #tpu.memory_space<vmem>> -> memref<128x144xbf16, #tpu.memory_space<vmem>>
      %dma_start3A_43 = arith.constant 0 : i32
      %dma_start3A_44 = tpu.memref_slice %arg10[%add3A_34, %dma_start3A_43] : memref<10112x144xbf16, #tpu.memory_space<vmem_shared>> -> memref<128x144xbf16, #tpu.memory_space<vmem_shared>>
      %dma_start3A_45 = arith.constant 0 : i32
      %dma_start3A_46 = arith.constant 0 : i32
      %dma_start3A_47 = tpu.memref_slice %arg8[%dma_start3A_45, %dma_start3A_46] : memref<128x144xbf16, #tpu.memory_space<vmem>> -> memref<128x144xbf16, #tpu.memory_space<vmem>>
      %dma_start3A_48 = arith.constant 0 : i32
      %dma_start3A_49 = tpu.memref_slice %arg10[%add3A_34, %dma_start3A_48] : memref<10112x144xbf16, #tpu.memory_space<vmem_shared>> -> memref<128x144xbf16, #tpu.memory_space<vmem_shared>>
      tpu.enqueue_dma source(%dma_start3A_49 : memref<128x144xbf16, #tpu.memory_space<vmem_shared>>) target(%dma_start3A_47 : memref<128x144xbf16, #tpu.memory_space<vmem>>) target_semaphore(%run_scoped3A : memref<!tpu.dma_semaphore, #tpu.memory_space<semaphore_mem>>)
      %dma_wait3A = arith.constant 0 : i32
      %dma_wait3A_50 = arith.constant 0 : i32
      %dma_wait3A_51 = tpu.memref_slice %arg8[%dma_wait3A, %dma_wait3A_50] : memref<128x144xbf16, #tpu.memory_space<vmem>> -> memref<128x144xbf16, #tpu.memory_space<vmem>>
      %dma_wait3A_52 = arith.constant 0 : i32
      %dma_wait3A_53 = tpu.memref_slice %arg10[%add3A_34, %dma_wait3A_52] : memref<10112x144xbf16, #tpu.memory_space<vmem_shared>> -> memref<128x144xbf16, #tpu.memory_space<vmem_shared>>
      %dma_wait3A_54 = arith.constant 0 : i32
      %dma_wait3A_55 = arith.constant 0 : i32
      %dma_wait3A_56 = tpu.memref_slice %arg8[%dma_wait3A_54, %dma_wait3A_55] : memref<128x144xbf16, #tpu.memory_space<vmem>> -> memref<128x144xbf16, #tpu.memory_space<vmem>>
      %dma_wait3A_57 = arith.constant 0 : i32
      %dma_wait3A_58 = tpu.memref_slice %arg10[%add3A_34, %dma_wait3A_57] : memref<10112x144xbf16, #tpu.memory_space<vmem_shared>> -> memref<128x144xbf16, #tpu.memory_space<vmem_shared>>
      tpu.wait_dma2 semaphore(%run_scoped3A : memref<!tpu.dma_semaphore, #tpu.memory_space<semaphore_mem>>) src(%dma_wait3A_58 : memref<128x144xbf16, #tpu.memory_space<vmem_shared>>) dst(%dma_wait3A_56 : memref<128x144xbf16, #tpu.memory_space<vmem>>)
      tpu.yield
    }) : () -> ()
    %add3A_35 = arith.constant 384 : i32
    %add3A_36 = arith.addi %mul3A_0, %add3A_35 : i32
    "tpu.region"() ({
      %run_scoped3A = tpu.sem_alloc : memref<!tpu.dma_semaphore, #tpu.memory_space<semaphore_mem>>
      %dma_start3A = arith.constant 0 : i32
      %dma_start3A_41 = arith.constant 0 : i32
      %dma_start3A_42 = tpu.memref_slice %arg8[%dma_start3A, %dma_start3A_41] : memref<128x144xbf16, #tpu.memory_space<vmem>> -> memref<128x144xbf16, #tpu.memory_space<vmem>>
      %dma_start3A_43 = arith.constant 0 : i32
      %dma_start3A_44 = tpu.memref_slice %arg5[%arg0, %add3A_36, %dma_start3A_43] : memref<2x10112x144xbf16, #tpu.memory_space<hbm>> -> memref<1x128x144xbf16, #tpu.memory_space<hbm>>
      %dma_start3A_45 = tpu.memref_squeeze %dma_start3A_44 : memref<1x128x144xbf16, #tpu.memory_space<hbm>> -> memref<128x144xbf16, #tpu.memory_space<hbm>>
      %dma_start3A_46 = arith.constant 0 : i32
      %dma_start3A_47 = tpu.memref_slice %arg5[%arg0, %add3A_36, %dma_start3A_46] : memref<2x10112x144xbf16, #tpu.memory_space<hbm>> -> memref<1x128x144xbf16, #tpu.memory_space<hbm>>
      %dma_start3A_48 = tpu.memref_squeeze %dma_start3A_47 : memref<1x128x144xbf16, #tpu.memory_space<hbm>> -> memref<128x144xbf16, #tpu.memory_space<hbm>>
      %dma_start3A_49 = arith.constant 0 : i32
      %dma_start3A_50 = arith.constant 0 : i32
      %dma_start3A_51 = tpu.memref_slice %arg8[%dma_start3A_49, %dma_start3A_50] : memref<128x144xbf16, #tpu.memory_space<vmem>> -> memref<128x144xbf16, #tpu.memory_space<vmem>>
      tpu.enqueue_dma source(%dma_start3A_51 : memref<128x144xbf16, #tpu.memory_space<vmem>>) target(%dma_start3A_48 : memref<128x144xbf16, #tpu.memory_space<hbm>>) target_semaphore(%run_scoped3A : memref<!tpu.dma_semaphore, #tpu.memory_space<semaphore_mem>>)
      %dma_wait3A = arith.constant 0 : i32
      %dma_wait3A_52 = arith.constant 0 : i32
      %dma_wait3A_53 = tpu.memref_slice %arg8[%dma_wait3A, %dma_wait3A_52] : memref<128x144xbf16, #tpu.memory_space<vmem>> -> memref<128x144xbf16, #tpu.memory_space<vmem>>
      %dma_wait3A_54 = arith.constant 0 : i32
      %dma_wait3A_55 = tpu.memref_slice %arg5[%arg0, %add3A_36, %dma_wait3A_54] : memref<2x10112x144xbf16, #tpu.memory_space<hbm>> -> memref<1x128x144xbf16, #tpu.memory_space<hbm>>
      %dma_wait3A_56 = tpu.memref_squeeze %dma_wait3A_55 : memref<1x128x144xbf16, #tpu.memory_space<hbm>> -> memref<128x144xbf16, #tpu.memory_space<hbm>>
      %dma_wait3A_57 = arith.constant 0 : i32
      %dma_wait3A_58 = tpu.memref_slice %arg5[%arg0, %add3A_36, %dma_wait3A_57] : memref<2x10112x144xbf16, #tpu.memory_space<hbm>> -> memref<1x128x144xbf16, #tpu.memory_space<hbm>>
      %dma_wait3A_59 = tpu.memref_squeeze %dma_wait3A_58 : memref<1x128x144xbf16, #tpu.memory_space<hbm>> -> memref<128x144xbf16, #tpu.memory_space<hbm>>
      %dma_wait3A_60 = arith.constant 0 : i32
      %dma_wait3A_61 = arith.constant 0 : i32
      %dma_wait3A_62 = tpu.memref_slice %arg8[%dma_wait3A_60, %dma_wait3A_61] : memref<128x144xbf16, #tpu.memory_space<vmem>> -> memref<128x144xbf16, #tpu.memory_space<vmem>>
      tpu.wait_dma2 semaphore(%run_scoped3A : memref<!tpu.dma_semaphore, #tpu.memory_space<semaphore_mem>>) src(%dma_wait3A_62 : memref<128x144xbf16, #tpu.memory_space<vmem>>) dst(%dma_wait3A_59 : memref<128x144xbf16, #tpu.memory_space<hbm>>)
      tpu.yield
    }) : () -> ()
    %add3A_37 = arith.constant 512 : i32
    %add3A_38 = arith.addi %mul3A_0, %add3A_37 : i32
    "tpu.region"() ({
      %run_scoped3A = tpu.sem_alloc : memref<!tpu.dma_semaphore, #tpu.memory_space<semaphore_mem>>
      %dma_start3A = arith.constant 0 : i32
      %dma_start3A_41 = arith.constant 0 : i32
      %dma_start3A_42 = tpu.memref_slice %arg8[%dma_start3A, %dma_start3A_41] : memref<128x144xbf16, #tpu.memory_space<vmem>> -> memref<120x144xbf16, #tpu.memory_space<vmem>>
      %dma_start3A_43 = arith.constant 0 : i32
      %dma_start3A_44 = tpu.memref_slice %arg10[%add3A_38, %dma_start3A_43] : memref<10112x144xbf16, #tpu.memory_space<vmem_shared>> -> memref<120x144xbf16, #tpu.memory_space<vmem_shared>>
      %dma_start3A_45 = arith.constant 0 : i32
      %dma_start3A_46 = arith.constant 0 : i32
      %dma_start3A_47 = tpu.memref_slice %arg8[%dma_start3A_45, %dma_start3A_46] : memref<128x144xbf16, #tpu.memory_space<vmem>> -> memref<120x144xbf16, #tpu.memory_space<vmem>>
      %dma_start3A_48 = arith.constant 0 : i32
      %dma_start3A_49 = tpu.memref_slice %arg10[%add3A_38, %dma_start3A_48] : memref<10112x144xbf16, #tpu.memory_space<vmem_shared>> -> memref<120x144xbf16, #tpu.memory_space<vmem_shared>>
      tpu.enqueue_dma source(%dma_start3A_49 : memref<120x144xbf16, #tpu.memory_space<vmem_shared>>) target(%dma_start3A_47 : memref<120x144xbf16, #tpu.memory_space<vmem>>) target_semaphore(%run_scoped3A : memref<!tpu.dma_semaphore, #tpu.memory_space<semaphore_mem>>)
      %dma_wait3A = arith.constant 0 : i32
      %dma_wait3A_50 = arith.constant 0 : i32
      %dma_wait3A_51 = tpu.memref_slice %arg8[%dma_wait3A, %dma_wait3A_50] : memref<128x144xbf16, #tpu.memory_space<vmem>> -> memref<120x144xbf16, #tpu.memory_space<vmem>>
      %dma_wait3A_52 = arith.constant 0 : i32
      %dma_wait3A_53 = tpu.memref_slice %arg10[%add3A_38, %dma_wait3A_52] : memref<10112x144xbf16, #tpu.memory_space<vmem_shared>> -> memref<120x144xbf16, #tpu.memory_space<vmem_shared>>
      %dma_wait3A_54 = arith.constant 0 : i32
      %dma_wait3A_55 = arith.constant 0 : i32
      %dma_wait3A_56 = tpu.memref_slice %arg8[%dma_wait3A_54, %dma_wait3A_55] : memref<128x144xbf16, #tpu.memory_space<vmem>> -> memref<120x144xbf16, #tpu.memory_space<vmem>>
      %dma_wait3A_57 = arith.constant 0 : i32
      %dma_wait3A_58 = tpu.memref_slice %arg10[%add3A_38, %dma_wait3A_57] : memref<10112x144xbf16, #tpu.memory_space<vmem_shared>> -> memref<120x144xbf16, #tpu.memory_space<vmem_shared>>
      tpu.wait_dma2 semaphore(%run_scoped3A : memref<!tpu.dma_semaphore, #tpu.memory_space<semaphore_mem>>) src(%dma_wait3A_58 : memref<120x144xbf16, #tpu.memory_space<vmem_shared>>) dst(%dma_wait3A_56 : memref<120x144xbf16, #tpu.memory_space<vmem>>)
      tpu.yield
    }) : () -> ()
    %add3A_39 = arith.constant 512 : i32
    %add3A_40 = arith.addi %mul3A_0, %add3A_39 : i32
    "tpu.region"() ({
      %run_scoped3A = tpu.sem_alloc : memref<!tpu.dma_semaphore, #tpu.memory_space<semaphore_mem>>
      %dma_start3A = arith.constant 0 : i32
      %dma_start3A_41 = arith.constant 0 : i32
      %dma_start3A_42 = tpu.memref_slice %arg8[%dma_start3A, %dma_start3A_41] : memref<128x144xbf16, #tpu.memory_space<vmem>> -> memref<120x144xbf16, #tpu.memory_space<vmem>>
      %dma_start3A_43 = arith.constant 0 : i32
      %dma_start3A_44 = tpu.memref_slice %arg5[%arg0, %add3A_40, %dma_start3A_43] : memref<2x10112x144xbf16, #tpu.memory_space<hbm>> -> memref<1x120x144xbf16, #tpu.memory_space<hbm>>
      %dma_start3A_45 = tpu.memref_squeeze %dma_start3A_44 : memref<1x120x144xbf16, #tpu.memory_space<hbm>> -> memref<120x144xbf16, #tpu.memory_space<hbm>>
      %dma_start3A_46 = arith.constant 0 : i32
      %dma_start3A_47 = tpu.memref_slice %arg5[%arg0, %add3A_40, %dma_start3A_46] : memref<2x10112x144xbf16, #tpu.memory_space<hbm>> -> memref<1x120x144xbf16, #tpu.memory_space<hbm>>
      %dma_start3A_48 = tpu.memref_squeeze %dma_start3A_47 : memref<1x120x144xbf16, #tpu.memory_space<hbm>> -> memref<120x144xbf16, #tpu.memory_space<hbm>>
      %dma_start3A_49 = arith.constant 0 : i32
      %dma_start3A_50 = arith.constant 0 : i32
      %dma_start3A_51 = tpu.memref_slice %arg8[%dma_start3A_49, %dma_start3A_50] : memref<128x144xbf16, #tpu.memory_space<vmem>> -> memref<120x144xbf16, #tpu.memory_space<vmem>>
      tpu.enqueue_dma source(%dma_start3A_51 : memref<120x144xbf16, #tpu.memory_space<vmem>>) target(%dma_start3A_48 : memref<120x144xbf16, #tpu.memory_space<hbm>>) target_semaphore(%run_scoped3A : memref<!tpu.dma_semaphore, #tpu.memory_space<semaphore_mem>>)
      %dma_wait3A = arith.constant 0 : i32
      %dma_wait3A_52 = arith.constant 0 : i32
      %dma_wait3A_53 = tpu.memref_slice %arg8[%dma_wait3A, %dma_wait3A_52] : memref<128x144xbf16, #tpu.memory_space<vmem>> -> memref<120x144xbf16, #tpu.memory_space<vmem>>
      %dma_wait3A_54 = arith.constant 0 : i32
      %dma_wait3A_55 = tpu.memref_slice %arg5[%arg0, %add3A_40, %dma_wait3A_54] : memref<2x10112x144xbf16, #tpu.memory_space<hbm>> -> memref<1x120x144xbf16, #tpu.memory_space<hbm>>
      %dma_wait3A_56 = tpu.memref_squeeze %dma_wait3A_55 : memref<1x120x144xbf16, #tpu.memory_space<hbm>> -> memref<120x144xbf16, #tpu.memory_space<hbm>>
      %dma_wait3A_57 = arith.constant 0 : i32
      %dma_wait3A_58 = tpu.memref_slice %arg5[%arg0, %add3A_40, %dma_wait3A_57] : memref<2x10112x144xbf16, #tpu.memory_space<hbm>> -> memref<1x120x144xbf16, #tpu.memory_space<hbm>>
      %dma_wait3A_59 = tpu.memref_squeeze %dma_wait3A_58 : memref<1x120x144xbf16, #tpu.memory_space<hbm>> -> memref<120x144xbf16, #tpu.memory_space<hbm>>
      %dma_wait3A_60 = arith.constant 0 : i32
      %dma_wait3A_61 = arith.constant 0 : i32
      %dma_wait3A_62 = tpu.memref_slice %arg8[%dma_wait3A_60, %dma_wait3A_61] : memref<128x144xbf16, #tpu.memory_space<vmem>> -> memref<120x144xbf16, #tpu.memory_space<vmem>>
      tpu.wait_dma2 semaphore(%run_scoped3A : memref<!tpu.dma_semaphore, #tpu.memory_space<semaphore_mem>>) src(%dma_wait3A_62 : memref<120x144xbf16, #tpu.memory_space<vmem>>) dst(%dma_wait3A_59 : memref<120x144xbf16, #tpu.memory_space<hbm>>)
      tpu.yield
    }) : () -> ()
    return
  }
}

module attributes {stable_mosaic.version = 14 : i64} {
  func.func @_layer0_body(%arg0: i32, %arg1: memref<400x128xf32, #tpu.memory_space<vmem>>, %arg2: memref<2x400x144xbf16, #tpu.memory_space<vmem>>, %arg3: memref<128x128xf32, #tpu.memory_space<vmem>>, %arg4: memref<1x128xf32, #tpu.memory_space<vmem>>, %arg5: memref<128x128xf32, #tpu.memory_space<vmem>>, %arg6: memref<128x128xf32, #tpu.memory_space<vmem>>, %arg7: memref<1x128xf32, #tpu.memory_space<vmem>>, %arg8: memref<128x128xf32, #tpu.memory_space<vmem>>, %arg9: memref<2x400x144xf32, #tpu.memory_space<vmem>>) attributes {dimension_semantics = [#tpu.dimension_semantics<arbitrary>], iteration_bounds = array<i64: 25>, scalar_prefetch = 0 : i64, scratch_operands = 0 : i64, tpu.core_type = #tpu.core_type<tc>, window_params = [{transform_indices = @transform_0, window_bounds = array<i64: 400, 128>}, {transform_indices = @transform_1, window_bounds = array<i64: 2, 400, 144>}, {pipeline_mode = #tpu.pipeline_mode<synchronous>, transform_indices = @transform_2, window_bounds = array<i64: 128, 128>}, {pipeline_mode = #tpu.pipeline_mode<synchronous>, transform_indices = @transform_3, window_bounds = array<i64: 1, 128>}, {pipeline_mode = #tpu.pipeline_mode<synchronous>, transform_indices = @transform_4, window_bounds = array<i64: 128, 128>}, {pipeline_mode = #tpu.pipeline_mode<synchronous>, transform_indices = @transform_5, window_bounds = array<i64: 128, 128>}, {pipeline_mode = #tpu.pipeline_mode<synchronous>, transform_indices = @transform_6, window_bounds = array<i64: 1, 128>}, {pipeline_mode = #tpu.pipeline_mode<synchronous>, transform_indices = @transform_7, window_bounds = array<i64: 128, 128>}, {transform_indices = @transform_8, window_bounds = array<i64: 2, 400, 144>}]} {
    %get3A = arith.constant 0 : index
    %get3A_0 = arith.constant 0 : index
    %get3A_1 = vector.load %arg1[%get3A, %get3A_0] : memref<400x128xf32, #tpu.memory_space<vmem>>, vector<400x128xf32>
    %broadcast_in_dim3A = arith.constant 1.000000e+00 : f32
    %broadcast_in_dim3A_2 = vector.broadcast %broadcast_in_dim3A : f32 to vector<400x1xf32>
    %broadcast_in_dim3A_3 = arith.constant 0.000000e+00 : f32
    %broadcast_in_dim3A_4 = vector.broadcast %broadcast_in_dim3A_3 : f32 to vector<400x15xf32>
    %get3A_5 = arith.constant 0 : index
    %get3A_6 = arith.constant 0 : index
    %get3A_7 = arith.constant 0 : index
    %get3A_8 = vector.load %arg2[%get3A_5, %get3A_6, %get3A_7] : memref<2x400x144xbf16, #tpu.memory_space<vmem>>, vector<1x400x144xbf16>
    %get3A_9 = vector.shape_cast %get3A_8 : vector<1x400x144xbf16> to vector<400x144xbf16>
    %convert_element_type3A = arith.extf %get3A_9 : vector<400x144xbf16> to vector<400x144xf32>
    %slice3A = vector.extract_strided_slice %convert_element_type3A {offsets = [0, 128], sizes = [400, 1], strides = [1, 1]} : vector<400x144xf32> to vector<400x1xf32>
    %max3A = arith.constant 1.000000e+00 : f32
    %max3A_10 = vector.broadcast %max3A : f32 to vector<400x1xf32>
    %max3A_11 = arith.maximumf %slice3A, %max3A_10 : vector<400x1xf32>
    %slice3A_12 = vector.extract_strided_slice %convert_element_type3A {offsets = [0, 0], sizes = [400, 128], strides = [1, 1]} : vector<400x144xf32> to vector<400x128xf32>
    %div3A = vector.broadcast %max3A_11 : vector<400x1xf32> to vector<400x128xf32>
    %div3A_13 = arith.divf %slice3A_12, %div3A : vector<400x128xf32>
    %get3A_14 = arith.constant 0 : index
    %get3A_15 = arith.constant 0 : index
    %get3A_16 = vector.load %arg3[%get3A_14, %get3A_15] : memref<128x128xf32, #tpu.memory_space<vmem>>, vector<128x128xf32>
    %dot_general3A = arith.constant dense<0.000000e+00> : vector<400x128xf32>
    %dot_general3A_17 = tpu.matmul %div3A_13, %get3A_16, %dot_general3A {dimension_numbers = #tpu.dot_dimension_numbers<[1], [1], [0], [0], [0, 0, 1, 0], [], []>, transpose_lhs_hint = false} : vector<400x128xf32>, vector<128x128xf32>, vector<400x128xf32> -> vector<400x128xf32>
    %get3A_18 = arith.constant 0 : index
    %get3A_19 = arith.constant 0 : index
    %get3A_20 = vector.load %arg4[%get3A_18, %get3A_19] : memref<1x128xf32, #tpu.memory_space<vmem>>, vector<1x128xf32>
    %add3A = vector.broadcast %get3A_20 : vector<1x128xf32> to vector<400x128xf32>
    %add3A_21 = arith.addf %dot_general3A_17, %add3A : vector<400x128xf32>
    %get3A_22 = arith.constant 0 : index
    %get3A_23 = arith.constant 0 : index
    %get3A_24 = vector.load %arg5[%get3A_22, %get3A_23] : memref<128x128xf32, #tpu.memory_space<vmem>>, vector<128x128xf32>
    %dot_general3A_25 = arith.constant dense<0.000000e+00> : vector<400x128xf32>
    %dot_general3A_26 = tpu.matmul %get3A_1, %get3A_24, %dot_general3A_25 {dimension_numbers = #tpu.dot_dimension_numbers<[1], [1], [0], [0], [0, 0, 1, 0], [], []>, transpose_lhs_hint = false} : vector<400x128xf32>, vector<128x128xf32>, vector<400x128xf32> -> vector<400x128xf32>
    %add3A_27 = arith.addf %add3A_21, %dot_general3A_26 : vector<400x128xf32>
    %max3A_28 = arith.constant 0.000000e+00 : f32
    %max3A_29 = vector.broadcast %max3A_28 : f32 to vector<400x128xf32>
    %max3A_30 = arith.maximumf %add3A_27, %max3A_29 : vector<400x128xf32>
    %concatenate3A = tpu.concatenate %max3A_30, %broadcast_in_dim3A_2, %broadcast_in_dim3A_4 in 1 : vector<400x128xf32>, vector<400x1xf32>, vector<400x15xf32> -> vector<400x144xf32>
    %swap3A = arith.constant 0 : index
    %swap3A_31 = arith.constant 0 : index
    %swap3A_32 = arith.constant 0 : index
    %swap3A_33 = vector.load %arg9[%swap3A, %swap3A_31, %swap3A_32] : memref<2x400x144xf32, #tpu.memory_space<vmem>>, vector<1x400x144xf32>
    %swap3A_34 = vector.shape_cast %swap3A_33 : vector<1x400x144xf32> to vector<400x144xf32>
    %swap3A_35 = vector.shape_cast %concatenate3A : vector<400x144xf32> to vector<1x400x144xf32>
    tpu.vector_store %arg9[%swap3A, %swap3A_31, %swap3A_32], %swap3A_35 {strides = array<i32>} : memref<2x400x144xf32, #tpu.memory_space<vmem>>, vector<1x400x144xf32>,
    %get3A_36 = arith.constant 1 : index
    %get3A_37 = arith.constant 0 : index
    %get3A_38 = arith.constant 0 : index
    %get3A_39 = vector.load %arg2[%get3A_36, %get3A_37, %get3A_38] : memref<2x400x144xbf16, #tpu.memory_space<vmem>>, vector<1x400x144xbf16>
    %get3A_40 = vector.shape_cast %get3A_39 : vector<1x400x144xbf16> to vector<400x144xbf16>
    %convert_element_type3A_41 = arith.extf %get3A_40 : vector<400x144xbf16> to vector<400x144xf32>
    %slice3A_42 = vector.extract_strided_slice %convert_element_type3A_41 {offsets = [0, 128], sizes = [400, 1], strides = [1, 1]} : vector<400x144xf32> to vector<400x1xf32>
    %max3A_43 = arith.constant 1.000000e+00 : f32
    %max3A_44 = vector.broadcast %max3A_43 : f32 to vector<400x1xf32>
    %max3A_45 = arith.maximumf %slice3A_42, %max3A_44 : vector<400x1xf32>
    %slice3A_46 = vector.extract_strided_slice %convert_element_type3A_41 {offsets = [0, 0], sizes = [400, 128], strides = [1, 1]} : vector<400x144xf32> to vector<400x128xf32>
    %div3A_47 = vector.broadcast %max3A_45 : vector<400x1xf32> to vector<400x128xf32>
    %div3A_48 = arith.divf %slice3A_46, %div3A_47 : vector<400x128xf32>
    %get3A_49 = arith.constant 0 : index
    %get3A_50 = arith.constant 0 : index
    %get3A_51 = vector.load %arg6[%get3A_49, %get3A_50] : memref<128x128xf32, #tpu.memory_space<vmem>>, vector<128x128xf32>
    %dot_general3A_52 = arith.constant dense<0.000000e+00> : vector<400x128xf32>
    %dot_general3A_53 = tpu.matmul %div3A_48, %get3A_51, %dot_general3A_52 {dimension_numbers = #tpu.dot_dimension_numbers<[1], [1], [0], [0], [0, 0, 1, 0], [], []>, transpose_lhs_hint = false} : vector<400x128xf32>, vector<128x128xf32>, vector<400x128xf32> -> vector<400x128xf32>
    %get3A_54 = arith.constant 0 : index
    %get3A_55 = arith.constant 0 : index
    %get3A_56 = vector.load %arg7[%get3A_54, %get3A_55] : memref<1x128xf32, #tpu.memory_space<vmem>>, vector<1x128xf32>
    %add3A_57 = vector.broadcast %get3A_56 : vector<1x128xf32> to vector<400x128xf32>
    %add3A_58 = arith.addf %dot_general3A_53, %add3A_57 : vector<400x128xf32>
    %get3A_59 = arith.constant 0 : index
    %get3A_60 = arith.constant 0 : index
    %get3A_61 = vector.load %arg8[%get3A_59, %get3A_60] : memref<128x128xf32, #tpu.memory_space<vmem>>, vector<128x128xf32>
    %dot_general3A_62 = arith.constant dense<0.000000e+00> : vector<400x128xf32>
    %dot_general3A_63 = tpu.matmul %get3A_1, %get3A_61, %dot_general3A_62 {dimension_numbers = #tpu.dot_dimension_numbers<[1], [1], [0], [0], [0, 0, 1, 0], [], []>, transpose_lhs_hint = false} : vector<400x128xf32>, vector<128x128xf32>, vector<400x128xf32> -> vector<400x128xf32>
    %add3A_64 = arith.addf %add3A_58, %dot_general3A_63 : vector<400x128xf32>
    %max3A_65 = arith.constant 0.000000e+00 : f32
    %max3A_66 = vector.broadcast %max3A_65 : f32 to vector<400x128xf32>
    %max3A_67 = arith.maximumf %add3A_64, %max3A_66 : vector<400x128xf32>
    %concatenate3A_68 = tpu.concatenate %max3A_67, %broadcast_in_dim3A_2, %broadcast_in_dim3A_4 in 1 : vector<400x128xf32>, vector<400x1xf32>, vector<400x15xf32> -> vector<400x144xf32>
    %swap3A_69 = arith.constant 1 : index
    %swap3A_70 = arith.constant 0 : index
    %swap3A_71 = arith.constant 0 : index
    %swap3A_72 = vector.load %arg9[%swap3A_69, %swap3A_70, %swap3A_71] : memref<2x400x144xf32, #tpu.memory_space<vmem>>, vector<1x400x144xf32>
    %swap3A_73 = vector.shape_cast %swap3A_72 : vector<1x400x144xf32> to vector<400x144xf32>
    %swap3A_74 = vector.shape_cast %concatenate3A_68 : vector<400x144xf32> to vector<1x400x144xf32>
    tpu.vector_store %arg9[%swap3A_69, %swap3A_70, %swap3A_71], %swap3A_74 {strides = array<i32>} : memref<2x400x144xf32, #tpu.memory_space<vmem>>, vector<1x400x144xf32>,
    return
  }
  func.func @transform_0(%arg0: i32) -> (i32, i32) {
    %c0_i32 = arith.constant 0 : i32
    %c0_i32_0 = arith.constant 0 : i32
    return %arg0, %c0_i32 : i32, i32
  }
  func.func @transform_1(%arg0: i32) -> (i32, i32, i32) {
    %c0_i32 = arith.constant 0 : i32
    %c0_i32_0 = arith.constant 0 : i32
    %c0_i32_1 = arith.constant 0 : i32
    return %c0_i32, %arg0, %c0_i32_0 : i32, i32, i32
  }
  func.func @transform_2(%arg0: i32) -> (i32, i32) {
    %c0_i32 = arith.constant 0 : i32
    %c0_i32_0 = arith.constant 0 : i32
    %c0_i32_1 = arith.constant 0 : i32
    return %c0_i32, %c0_i32_0 : i32, i32
  }
  func.func @transform_3(%arg0: i32) -> (i32, i32) {
    %c0_i32 = arith.constant 0 : i32
    %c0_i32_0 = arith.constant 0 : i32
    %c0_i32_1 = arith.constant 0 : i32
    return %c0_i32, %c0_i32_0 : i32, i32
  }
  func.func @transform_4(%arg0: i32) -> (i32, i32) {
    %c0_i32 = arith.constant 0 : i32
    %c0_i32_0 = arith.constant 0 : i32
    %c0_i32_1 = arith.constant 0 : i32
    return %c0_i32, %c0_i32_0 : i32, i32
  }
  func.func @transform_5(%arg0: i32) -> (i32, i32) {
    %c0_i32 = arith.constant 0 : i32
    %c0_i32_0 = arith.constant 0 : i32
    %c0_i32_1 = arith.constant 0 : i32
    return %c0_i32, %c0_i32_0 : i32, i32
  }
  func.func @transform_6(%arg0: i32) -> (i32, i32) {
    %c0_i32 = arith.constant 0 : i32
    %c0_i32_0 = arith.constant 0 : i32
    %c0_i32_1 = arith.constant 0 : i32
    return %c0_i32, %c0_i32_0 : i32, i32
  }
  func.func @transform_7(%arg0: i32) -> (i32, i32) {
    %c0_i32 = arith.constant 0 : i32
    %c0_i32_0 = arith.constant 0 : i32
    %c0_i32_1 = arith.constant 0 : i32
    return %c0_i32, %c0_i32_0 : i32, i32
  }
  func.func @transform_8(%arg0: i32) -> (i32, i32, i32) {
    %c0_i32 = arith.constant 0 : i32
    %c0_i32_0 = arith.constant 0 : i32
    %c0_i32_1 = arith.constant 0 : i32
    return %c0_i32, %arg0, %c0_i32_0 : i32, i32, i32
  }
}

module attributes {stable_mosaic.version = 14 : i64} {
  func.func @_layer1_body(%arg0: i32, %arg1: memref<2x400x144xf32, #tpu.memory_space<vmem>>, %arg2: memref<2x400x144xbf16, #tpu.memory_space<vmem>>, %arg3: memref<128x128xf32, #tpu.memory_space<vmem>>, %arg4: memref<1x128xf32, #tpu.memory_space<vmem>>, %arg5: memref<128x128xf32, #tpu.memory_space<vmem>>, %arg6: memref<128x128xf32, #tpu.memory_space<vmem>>, %arg7: memref<1x128xf32, #tpu.memory_space<vmem>>, %arg8: memref<128x128xf32, #tpu.memory_space<vmem>>, %arg9: memref<1x2xf32, #tpu.memory_space<vmem>>, %arg10: memref<400x128xf32, #tpu.memory_space<vmem>>) attributes {dimension_semantics = [#tpu.dimension_semantics<arbitrary>], iteration_bounds = array<i64: 25>, scalar_prefetch = 0 : i64, scratch_operands = 0 : i64, tpu.core_type = #tpu.core_type<tc>, window_params = [{transform_indices = @transform_0, window_bounds = array<i64: 2, 400, 144>}, {transform_indices = @transform_1, window_bounds = array<i64: 2, 400, 144>}, {pipeline_mode = #tpu.pipeline_mode<synchronous>, transform_indices = @transform_2, window_bounds = array<i64: 128, 128>}, {pipeline_mode = #tpu.pipeline_mode<synchronous>, transform_indices = @transform_3, window_bounds = array<i64: 1, 128>}, {pipeline_mode = #tpu.pipeline_mode<synchronous>, transform_indices = @transform_4, window_bounds = array<i64: 128, 128>}, {pipeline_mode = #tpu.pipeline_mode<synchronous>, transform_indices = @transform_5, window_bounds = array<i64: 128, 128>}, {pipeline_mode = #tpu.pipeline_mode<synchronous>, transform_indices = @transform_6, window_bounds = array<i64: 1, 128>}, {pipeline_mode = #tpu.pipeline_mode<synchronous>, transform_indices = @transform_7, window_bounds = array<i64: 128, 128>}, {pipeline_mode = #tpu.pipeline_mode<synchronous>, transform_indices = @transform_8, window_bounds = array<i64: 1, 2>}, {transform_indices = @transform_9, window_bounds = array<i64: 400, 128>}]} {
    %get3A = arith.constant 0 : index
    %get3A_0 = arith.constant 0 : index
    %get3A_1 = vector.load %arg9[%get3A, %get3A_0] : memref<1x2xf32, #tpu.memory_space<vmem>>, vector<1x2xf32>
    %reduce_max3A = vector.shape_cast %get3A_1 : vector<1x2xf32> to vector<1x1x2xf32>
    %reduce_max3A_2 = arith.constant dense<0xFF800000> : vector<1xf32>
    %reduce_max3A_3 = vector.multi_reduction <maximumf>, %reduce_max3A, %reduce_max3A_2 [1, 2] : vector<1x1x2xf32> to vector<1xf32>
    %reduce_max3A_4 = vector.shape_cast %reduce_max3A_3 : vector<1xf32> to vector<1x1x1xf32>
    %reduce_max3A_5 = vector.extract %reduce_max3A_4[0, 0, 0] : f32 from vector<1x1x1xf32>
    %sub3A = vector.broadcast %reduce_max3A_5 : f32 to vector<1x2xf32>
    %sub3A_6 = arith.subf %get3A_1, %sub3A : vector<1x2xf32>
    %exp3A = math.exp %sub3A_6 : vector<1x2xf32>
    %reduce_sum3A = vector.shape_cast %exp3A : vector<1x2xf32> to vector<1x1x2xf32>
    %reduce_sum3A_7 = arith.constant dense<0.000000e+00> : vector<1xf32>
    %reduce_sum3A_8 = vector.multi_reduction <add>, %reduce_sum3A, %reduce_sum3A_7 [1, 2] : vector<1x1x2xf32> to vector<1xf32>
    %reduce_sum3A_9 = vector.shape_cast %reduce_sum3A_8 : vector<1xf32> to vector<1x1x1xf32>
    %reduce_sum3A_10 = vector.extract %reduce_sum3A_9[0, 0, 0] : f32 from vector<1x1x1xf32>
    %div3A = vector.broadcast %reduce_sum3A_10 : f32 to vector<1x2xf32>
    %div3A_11 = arith.divf %exp3A, %div3A : vector<1x2xf32>
    %get3A_12 = arith.constant 0 : index
    %get3A_13 = arith.constant 0 : index
    %get3A_14 = arith.constant 0 : index
    %get3A_15 = vector.load %arg2[%get3A_12, %get3A_13, %get3A_14] : memref<2x400x144xbf16, #tpu.memory_space<vmem>>, vector<1x400x144xbf16>
    %get3A_16 = vector.shape_cast %get3A_15 : vector<1x400x144xbf16> to vector<400x144xbf16>
    %convert_element_type3A = arith.extf %get3A_16 : vector<400x144xbf16> to vector<400x144xf32>
    %slice3A = vector.extract_strided_slice %convert_element_type3A {offsets = [0, 128], sizes = [400, 1], strides = [1, 1]} : vector<400x144xf32> to vector<400x1xf32>
    %max3A = arith.constant 1.000000e+00 : f32
    %max3A_17 = vector.broadcast %max3A : f32 to vector<400x1xf32>
    %max3A_18 = arith.maximumf %slice3A, %max3A_17 : vector<400x1xf32>
    %slice3A_19 = vector.extract_strided_slice %convert_element_type3A {offsets = [0, 0], sizes = [400, 128], strides = [1, 1]} : vector<400x144xf32> to vector<400x128xf32>
    %div3A_20 = vector.broadcast %max3A_18 : vector<400x1xf32> to vector<400x128xf32>
    %div3A_21 = arith.divf %slice3A_19, %div3A_20 : vector<400x128xf32>
    %get3A_22 = arith.constant 0 : index
    %get3A_23 = arith.constant 0 : index
    %get3A_24 = vector.load %arg3[%get3A_22, %get3A_23] : memref<128x128xf32, #tpu.memory_space<vmem>>, vector<128x128xf32>
    %dot_general3A = arith.constant dense<0.000000e+00> : vector<400x128xf32>
    %dot_general3A_25 = tpu.matmul %div3A_21, %get3A_24, %dot_general3A {dimension_numbers = #tpu.dot_dimension_numbers<[1], [1], [0], [0], [0, 0, 1, 0], [], []>, transpose_lhs_hint = false} : vector<400x128xf32>, vector<128x128xf32>, vector<400x128xf32> -> vector<400x128xf32>
    %get3A_26 = arith.constant 0 : index
    %get3A_27 = arith.constant 0 : index
    %get3A_28 = vector.load %arg4[%get3A_26, %get3A_27] : memref<1x128xf32, #tpu.memory_space<vmem>>, vector<1x128xf32>
    %add3A = vector.broadcast %get3A_28 : vector<1x128xf32> to vector<400x128xf32>
    %add3A_29 = arith.addf %dot_general3A_25, %add3A : vector<400x128xf32>
    %get3A_30 = arith.constant 0 : index
    %get3A_31 = arith.constant 0 : index
    %get3A_32 = arith.constant 0 : index
    %get3A_33 = vector.load %arg1[%get3A_30, %get3A_31, %get3A_32] : memref<2x400x144xf32, #tpu.memory_space<vmem>>, vector<1x400x144xf32>
    %get3A_34 = vector.shape_cast %get3A_33 : vector<1x400x144xf32> to vector<400x144xf32>
    %slice3A_35 = vector.extract_strided_slice %get3A_34 {offsets = [0, 0], sizes = [400, 128], strides = [1, 1]} : vector<400x144xf32> to vector<400x128xf32>
    %get3A_36 = arith.constant 0 : index
    %get3A_37 = arith.constant 0 : index
    %get3A_38 = vector.load %arg5[%get3A_36, %get3A_37] : memref<128x128xf32, #tpu.memory_space<vmem>>, vector<128x128xf32>
    %dot_general3A_39 = arith.constant dense<0.000000e+00> : vector<400x128xf32>
    %dot_general3A_40 = tpu.matmul %slice3A_35, %get3A_38, %dot_general3A_39 {dimension_numbers = #tpu.dot_dimension_numbers<[1], [1], [0], [0], [0, 0, 1, 0], [], []>, transpose_lhs_hint = false} : vector<400x128xf32>, vector<128x128xf32>, vector<400x128xf32> -> vector<400x128xf32>
    %add3A_41 = arith.addf %add3A_29, %dot_general3A_40 : vector<400x128xf32>
    %get3A_42 = arith.constant 1 : index
    %get3A_43 = arith.constant 0 : index
    %get3A_44 = arith.constant 0 : index
    %get3A_45 = vector.load %arg2[%get3A_42, %get3A_43, %get3A_44] : memref<2x400x144xbf16, #tpu.memory_space<vmem>>, vector<1x400x144xbf16>
    %get3A_46 = vector.shape_cast %get3A_45 : vector<1x400x144xbf16> to vector<400x144xbf16>
    %convert_element_type3A_47 = arith.extf %get3A_46 : vector<400x144xbf16> to vector<400x144xf32>
    %slice3A_48 = vector.extract_strided_slice %convert_element_type3A_47 {offsets = [0, 128], sizes = [400, 1], strides = [1, 1]} : vector<400x144xf32> to vector<400x1xf32>
    %max3A_49 = arith.constant 1.000000e+00 : f32
    %max3A_50 = vector.broadcast %max3A_49 : f32 to vector<400x1xf32>
    %max3A_51 = arith.maximumf %slice3A_48, %max3A_50 : vector<400x1xf32>
    %slice3A_52 = vector.extract_strided_slice %convert_element_type3A_47 {offsets = [0, 0], sizes = [400, 128], strides = [1, 1]} : vector<400x144xf32> to vector<400x128xf32>
    %div3A_53 = vector.broadcast %max3A_51 : vector<400x1xf32> to vector<400x128xf32>
    %div3A_54 = arith.divf %slice3A_52, %div3A_53 : vector<400x128xf32>
    %get3A_55 = arith.constant 0 : index
    %get3A_56 = arith.constant 0 : index
    %get3A_57 = vector.load %arg6[%get3A_55, %get3A_56] : memref<128x128xf32, #tpu.memory_space<vmem>>, vector<128x128xf32>
    %dot_general3A_58 = arith.constant dense<0.000000e+00> : vector<400x128xf32>
    %dot_general3A_59 = tpu.matmul %div3A_54, %get3A_57, %dot_general3A_58 {dimension_numbers = #tpu.dot_dimension_numbers<[1], [1], [0], [0], [0, 0, 1, 0], [], []>, transpose_lhs_hint = false} : vector<400x128xf32>, vector<128x128xf32>, vector<400x128xf32> -> vector<400x128xf32>
    %get3A_60 = arith.constant 0 : index
    %get3A_61 = arith.constant 0 : index
    %get3A_62 = vector.load %arg7[%get3A_60, %get3A_61] : memref<1x128xf32, #tpu.memory_space<vmem>>, vector<1x128xf32>
    %add3A_63 = vector.broadcast %get3A_62 : vector<1x128xf32> to vector<400x128xf32>
    %add3A_64 = arith.addf %dot_general3A_59, %add3A_63 : vector<400x128xf32>
    %get3A_65 = arith.constant 1 : index
    %get3A_66 = arith.constant 0 : index
    %get3A_67 = arith.constant 0 : index
    %get3A_68 = vector.load %arg1[%get3A_65, %get3A_66, %get3A_67] : memref<2x400x144xf32, #tpu.memory_space<vmem>>, vector<1x400x144xf32>
    %get3A_69 = vector.shape_cast %get3A_68 : vector<1x400x144xf32> to vector<400x144xf32>
    %slice3A_70 = vector.extract_strided_slice %get3A_69 {offsets = [0, 0], sizes = [400, 128], strides = [1, 1]} : vector<400x144xf32> to vector<400x128xf32>
    %get3A_71 = arith.constant 0 : index
    %get3A_72 = arith.constant 0 : index
    %get3A_73 = vector.load %arg8[%get3A_71, %get3A_72] : memref<128x128xf32, #tpu.memory_space<vmem>>, vector<128x128xf32>
    %dot_general3A_74 = arith.constant dense<0.000000e+00> : vector<400x128xf32>
    %dot_general3A_75 = tpu.matmul %slice3A_70, %get3A_73, %dot_general3A_74 {dimension_numbers = #tpu.dot_dimension_numbers<[1], [1], [0], [0], [0, 0, 1, 0], [], []>, transpose_lhs_hint = false} : vector<400x128xf32>, vector<128x128xf32>, vector<400x128xf32> -> vector<400x128xf32>
    %add3A_76 = arith.addf %add3A_64, %dot_general3A_75 : vector<400x128xf32>
    %slice3A_77 = vector.extract_strided_slice %div3A_11 {offsets = [0, 0], sizes = [1, 1], strides = [1, 1]} : vector<1x2xf32> to vector<1x1xf32>
    %mul3A = vector.broadcast %slice3A_77 : vector<1x1xf32> to vector<400x128xf32>
    %mul3A_78 = arith.mulf %mul3A, %add3A_41 : vector<400x128xf32>
    %slice3A_79 = vector.extract_strided_slice %div3A_11 {offsets = [0, 1], sizes = [1, 1], strides = [1, 1]} : vector<1x2xf32> to vector<1x1xf32>
    %mul3A_80 = vector.broadcast %slice3A_79 : vector<1x1xf32> to vector<400x128xf32>
    %mul3A_81 = arith.mulf %mul3A_80, %add3A_76 : vector<400x128xf32>
    %add3A_82 = arith.addf %mul3A_78, %mul3A_81 : vector<400x128xf32>
    %mul3A_83 = arith.mulf %add3A_82, %add3A_82 : vector<400x128xf32>
    %reduce_sum3A_84 = arith.constant dense<0.000000e+00> : vector<400xf32>
    %reduce_sum3A_85 = vector.multi_reduction <add>, %mul3A_83, %reduce_sum3A_84 [1] : vector<400x128xf32> to vector<400xf32>
    %broadcast_in_dim3A = vector.shape_cast %reduce_sum3A_85 : vector<400xf32> to vector<400x1xf32>
    %sqrt3A = math.sqrt %broadcast_in_dim3A : vector<400x1xf32>
    %max3A_86 = arith.constant 9.99999996E-13 : f32
    %max3A_87 = vector.broadcast %max3A_86 : f32 to vector<400x1xf32>
    %max3A_88 = arith.maximumf %sqrt3A, %max3A_87 : vector<400x1xf32>
    %div3A_89 = vector.broadcast %max3A_88 : vector<400x1xf32> to vector<400x128xf32>
    %div3A_90 = arith.divf %add3A_82, %div3A_89 : vector<400x128xf32>
    %swap3A = arith.constant 0 : index
    %swap3A_91 = arith.constant 0 : index
    %swap3A_92 = vector.load %arg10[%swap3A, %swap3A_91] : memref<400x128xf32, #tpu.memory_space<vmem>>, vector<400x128xf32>
    tpu.vector_store %arg10[%swap3A, %swap3A_91], %div3A_90 {strides = array<i32>} : memref<400x128xf32, #tpu.memory_space<vmem>>, vector<400x128xf32>,
    return
  }
  func.func @transform_0(%arg0: i32) -> (i32, i32, i32) {
    %c0_i32 = arith.constant 0 : i32
    %c0_i32_0 = arith.constant 0 : i32
    %c0_i32_1 = arith.constant 0 : i32
    return %c0_i32, %arg0, %c0_i32_0 : i32, i32, i32
  }
  func.func @transform_1(%arg0: i32) -> (i32, i32, i32) {
    %c0_i32 = arith.constant 0 : i32
    %c0_i32_0 = arith.constant 0 : i32
    %c0_i32_1 = arith.constant 0 : i32
    return %c0_i32, %arg0, %c0_i32_0 : i32, i32, i32
  }
  func.func @transform_2(%arg0: i32) -> (i32, i32) {
    %c0_i32 = arith.constant 0 : i32
    %c0_i32_0 = arith.constant 0 : i32
    %c0_i32_1 = arith.constant 0 : i32
    return %c0_i32, %c0_i32_0 : i32, i32
  }
  func.func @transform_3(%arg0: i32) -> (i32, i32) {
    %c0_i32 = arith.constant 0 : i32
    %c0_i32_0 = arith.constant 0 : i32
    %c0_i32_1 = arith.constant 0 : i32
    return %c0_i32, %c0_i32_0 : i32, i32
  }
  func.func @transform_4(%arg0: i32) -> (i32, i32) {
    %c0_i32 = arith.constant 0 : i32
    %c0_i32_0 = arith.constant 0 : i32
    %c0_i32_1 = arith.constant 0 : i32
    return %c0_i32, %c0_i32_0 : i32, i32
  }
  func.func @transform_5(%arg0: i32) -> (i32, i32) {
    %c0_i32 = arith.constant 0 : i32
    %c0_i32_0 = arith.constant 0 : i32
    %c0_i32_1 = arith.constant 0 : i32
    return %c0_i32, %c0_i32_0 : i32, i32
  }
  func.func @transform_6(%arg0: i32) -> (i32, i32) {
    %c0_i32 = arith.constant 0 : i32
    %c0_i32_0 = arith.constant 0 : i32
    %c0_i32_1 = arith.constant 0 : i32
    return %c0_i32, %c0_i32_0 : i32, i32
  }
  func.func @transform_7(%arg0: i32) -> (i32, i32) {
    %c0_i32 = arith.constant 0 : i32
    %c0_i32_0 = arith.constant 0 : i32
    %c0_i32_1 = arith.constant 0 : i32
    return %c0_i32, %c0_i32_0 : i32, i32
  }
  func.func @transform_8(%arg0: i32) -> (i32, i32) {
    %c0_i32 = arith.constant 0 : i32
    %c0_i32_0 = arith.constant 0 : i32
    %c0_i32_1 = arith.constant 0 : i32
    return %c0_i32, %c0_i32_0 : i32, i32
  }
  func.func @transform_9(%arg0: i32) -> (i32, i32) {
    %c0_i32 = arith.constant 0 : i32
    %c0_i32_0 = arith.constant 0 : i32
    return %arg0, %c0_i32 : i32, i32
  }
}

</mosaic_0001>

<sc_bundles>
// kernel: kernel.6.cloned.1.call-start
scs
__scs_entry_jumppad:
0x0: {  	(pc) =	sbr.rel $0x88, $3  }
0x1: {  	(tag) =	ssettag $0x0;
	lr =	simm.s32 $0x1  }
0x2: {  	[smem:$0x3F91] =	sst lr;
	_ =	strace $0xD0000000  }
0x3: {  	_ = 	snop  }
0x4: {  	_ = 	snop  }
0x5: {  	_ = 	snop  }
0x6: {  	_ = 	snop  }
0x7: {  	_ = 	snop  }
__scs_overlays_trampoline_lowered:
0x8: {  	[smem:$0x3FA0] =	sst s0  }
0x9: {  	[smem:$0x3FA1] =	sst s1  }
0xa: {  	[smem:$0x3FA2] =	sst s2  }
0xb: {  	[smem:$0x3FA3] =	sst s3  }
0xc: {  	[smem:$0x3FA4] =	sst s4  }
0xd: {  	[smem:$0x3FA5] =	sst s5  }
0xe: {  	[smem:$0x3FA6] =	sst s6  }
0xf: {  	[smem:$0x3FA7] =	sst s7  }
0x10: {  	[smem:$0x3FA8] =	sst s8  }
0x11: {  	[smem:$0x3FA9] =	sst s9;
	s0 =	simm.s32 @!p0 $0x0  }
0x12: {  	s1 =	sld [smem:$0x3F8F];
	s0 =	simm.s32 @p0 $0x1  }
0x13: {  	[smem:$0x3FAA] =	sst s0;
	s0 =	simm.s32 @!p1 $0x0  }
0x14: {  	s2 =	sld [smem:$0x3F8E];
	s0 =	simm.s32 @p1 $0x1  }
0x15: {  	[smem:$0x3FAB] =	sst s0;
	s0 =	simm.s32 @!p2 $0x0  }
0x16: {  	s3 =	sld [smem:$0x3FDB];
	s0 =	simm.s32 @p2 $0x1  }
0x17: {  	s4 =	simm.s32 $0x1BF5;
	[smem:$0x3FAD] =	sst s0  }
0x18: {  	s0 =	sld [smem:$0x3F90];
	_ =	swait.ge [sflag:s4], $0x0  }
0x19: {  	s7 =	sld [smem:$0x3F91]  }
0x1a: {  	s8 =	sadd.s32 $0xFFFFE003, lr  }
0x1b: {  	s9 =	sadd.s32 $0xFFFFFEF7, lr;
	s5 =	simm.s32 $0xFFFFFFFF;
	p2 =	slt.u32 s8, $0xFFFFF086  }
0x1c: {  	p1 =	slt.u32 s9, $0xF7A;
	s5 =	simm.s32 @!p2 $0x0  }
0x1d: {  	s5 =	simm.s32 @p1 $0x1;
	p0 =	seq.s32 s7, s2  }
0x1e: {  	s7 =	smul.u32 @!p0 $0xF7A, s2;
	p2 =	seq.s32 @!p0 s5, $0x0  }
0x1f: {  	s9 =	smul.u32 $0xF7A, s1;
	s8 =	simm.s32 @!p0 $0x1BF5;
	p2 =	por !p2, p0  }
0x20: {  	[sflag:s8] =	ssyncset.s32 @!p0 $0xFFFFF086;
	s6 =	sadd.s32 @!p0 s3, s7;
	s7 =	simm.s32 @!p0 $0x108  }
0x21: {  	s3 =	sadd.s32 s3, s9;
	s6 =	sadd.s32 @!p0 $0x88, s6;
	s7 =	simm.s32 @p2 $0x1082  }
0x22: {  	[simem:s7], [sflag:s8] =	dma.local @!p0 [hbm:s6], $0xF7A  }
0x23: {  	s9 =	sor.u32 $0xD0000000, s2;
	s6 =	simm.s32 $0x108;
	_ =	swait.ge @!p0 [sflag:s8], $0x0  }
0x24: {  	s3 =	sadd.s32 $0x88, s3;
	s6 =	simm.s32 @!p1 $0x1082;
	[sflag:s4] =	ssyncset.s32 $0xFFFFF086  }
0x25: {  	[simem:s6], [sflag:s4] =	dma.local [hbm:s3], $0xF7A  }
0x26: {  	[smem:$0x3F91] =	sst s1;
	(tag) =	ssettag s2;
	_ =	strace s9  }
0x27: {  	s1 =	sld [smem:$0x3FA1]  }
0x28: {  	s2 =	sld [smem:$0x3FA2]  }
0x29: {  	s4 =	sld [smem:$0x3FA4]  }
0x2a: {  	p0 =	seq.s32 s5, $0x0;
	s5 =	sld [smem:$0x3FA5]  }
0x2b: {  	s6 =	sld [smem:$0x3FA6]  }
0x2c: {  	s7 =	sld [smem:$0x3FA7]  }
0x2d: {  	s3 =	simm.s32 $0x108;
	s8 =	sld [smem:$0x3FA8]  }
0x2e: {  	s3 =	simm.s32 @!p0 $0x1082;
	s9 =	sld [smem:$0x3FA9]  }
0x2f: {  	lr =	sadd.s32 s0, s3;
	s0 =	sld [smem:$0x3FA0]  }
0x30: {  	s3 =	sld [smem:$0x3FA3]  }
0x31: {  	[smem:$0x3FAC] =	sst s10  }
0x32: {  	s10 =	sld [smem:$0x3FAA];
	_ =	sdelay $0x3  }
0x33: {  	p0 =	seq.s32 s10, $0x1;
	s10 =	sld [smem:$0x3FAC];
	_ =	sdelay $0x3  }
0x34: {  	[smem:$0x3FAC] =	sst s10  }
0x35: {  	s10 =	sld [smem:$0x3FAB];
	_ =	sdelay $0x3  }
0x36: {  	p1 =	seq.s32 s10, $0x1;
	s10 =	sld [smem:$0x3FAC];
	_ =	sdelay $0x3  }
0x37: {  	[smem:$0x3FAC] =	sst s10  }
0x38: {  	s10 =	sld [smem:$0x3FAD]  }
0x39: {  	_ = 	snop;
	(pc) =	sbr.ind lr, $3  }
0x3a: {  	_ = 	snop  }
0x3b: {  	_ = 	snop  }
0x3c: {  	p2 =	seq.s32 s10, $0x1;
	s10 =	sld [smem:$0x3FAC]  }
0x3d: {  	_ =	shalt  }
0x3e: {  	_ =	shalt  }
0x3f: {  	_ =	shalt  }
0x40: {  	_ =	shalt  }
0x41: {  	_ =	shalt  }
0x42: {  	_ =	shalt  }
0x43: {  	_ =	shalt  }
0x44: {  	_ =	shalt  }
0x45: {  	_ =	shalt  }
0x46: {  	_ =	shalt  }
0x47: {  	_ =	shalt  }
0x48: {  	_ =	shalt  }
0x49: {  	_ =	shalt  }
0x4a: {  	_ =	shalt  }
0x4b: {  	_ =	shalt  }
0x4c: {  	_ =	shalt  }
0x4d: {  	_ =	shalt  }
0x4e: {  	_ =	shalt  }
0x4f: {  	_ =	shalt  }
0x50: {  	_ =	shalt  }
0x51: {  	_ =	shalt  }
0x52: {  	_ =	shalt  }
0x53: {  	_ =	shalt  }
0x54: {  	_ =	shalt  }
0x55: {  	_ =	shalt  }
0x56: {  	_ =	shalt  }
0x57: {  	_ =	shalt  }
0x58: {  	_ =	shalt  }
0x59: {  	_ =	shalt  }
0x5a: {  	_ =	shalt  }
0x5b: {  	_ =	shalt  }
0x5c: {  	_ =	shalt  }
0x5d: {  	_ =	shalt  }
0x5e: {  	_ =	shalt  }
0x5f: {  	_ =	shalt  }
0x60: {  	_ =	shalt  }
0x61: {  	_ =	shalt  }
0x62: {  	_ =	shalt  }
0x63: {  	_ =	shalt  }
0x64: {  	_ =	shalt  }
0x65: {  	_ =	shalt  }
0x66: {  	_ =	shalt  }
0x67: {  	_ =	shalt  }
0x68: {  	_ =	shalt  }
0x69: {  	_ =	shalt  }
0x6a: {  	_ =	shalt  }
0x6b: {  	_ =	shalt  }
0x6c: {  	_ =	shalt  }
0x6d: {  	_ =	shalt  }
0x6e: {  	_ =	shalt  }
0x6f: {  	_ =	shalt  }
0x70: {  	_ =	shalt  }
0x71: {  	_ =	shalt  }
0x72: {  	_ =	shalt  }
0x73: {  	_ =	shalt  }
0x74: {  	_ =	shalt  }
0x75: {  	_ =	shalt  }
0x76: {  	_ =	shalt  }
0x77: {  	_ =	shalt  }
0x78: {  	_ =	shalt  }
0x79: {  	_ =	shalt  }
0x7a: {  	_ =	shalt  }
0x7b: {  	_ =	shalt  }
0x7c: {  	_ =	shalt  }
0x7d: {  	_ =	shalt  }
0x7e: {  	_ =	shalt  }
0x7f: {  	_ =	shalt  }
0x80: {  	_ =	shalt  }
0x81: {  	_ =	shalt  }
0x82: {  	_ =	shalt  }
0x83: {  	_ =	shalt  }
0x84: {  	_ =	shalt  }
0x85: {  	_ =	shalt  }
0x86: {  	_ =	shalt  }
0x87: {  	_ =	shalt  }
.Lfunc_end0:
.L_simem_size_0:
called_computation_lowered:
.L_overlay_start_0:
0x88: {  	s2 =	sld [smem:$0x3FD9]  }
0x89: {  	s3 =	sld [smem:$0x3FFE];
	_ =	sdelay $0x1  }
0x8a: {  	s1 =	srdreg.scid  }
0x8b: {  	s0 =	sand.u32 $0x1, s1  }
0x8c: {  	s17 =	sshll.u32 s0, $0xA;
	s2 =	sadd.s32 s3, s2  }
0x8d: {  	s2 =	sadd.s32 s2, s17  }
0x8e: {  	[smem:$0x3FB8] =	sst s2  }
0x8f: {  	_ = 	snop  }
0x90: {  	s2 =	sld [smem:$0x3FD0];
	(tm) =	ssettm $0x1  }
0x91: {  	s18 =	sld [smem:$0x3FFB];
	_ =	sdelay $0x3  }
0x92: {  	_ =	strace s18  }
0x93: {  	s3 =	sld [smem:$0x3FFC];
	_ =	sdelay $0x3  }
0x94: {  	_ =	strace s3  }
0x95: {  	s3 =	sld [smem:$0x3FFD];
	_ =	sdelay $0x3  }
0x96: {  	_ =	strace s3  }
0x97: {  	_ =	strace $0x8FFFFFFF  }
0x98: {  	s19 =	sld [smem:$0x3FDB];
	_ =	sdelay $0x1  }
0x99: {  	s4 =	simm.s32 $_scs_section_size  }
0x9a: {  	s5 =	simm.s32 $_size__tile_overlayer_lowered;
	s6 =	simm.s32 $_tile_overlayer_lowered  }
0x9b: {  	s22 =	simm.s32 $0x1BFF;
	s21 =	sshll.u32 s6, $0x1;
	s3 =	sadd.s32 s4, s19  }
0x9c: {  	s7 =	simm.s32 $0x0;
	s20 =	sshll.u32 s5, $0x1;
	s5 =	sadd.s32 s21, s3  }
0x9d: {  	[timem:s7], [sflag:s22] =	dma.local [hbm:s5], s20  }
0x9e: {  	_ =	swait.ge [sflag:s22], s20  }
0x9f: {  	s4 =	ssub.s32 $0x0, s20;
	[sflag:s22] =	ssyncset.done $0x0  }
0xa0: {  	[sflag:s22] =	ssyncadd.s32 s4;
	_ =	sdelay $0x1  }
0xa1: {  	s23 =	simm.s32 $0x1B8B  }
0xa2: {  	_ =	swait.ge [sflag:s23], $0x1  }
0xa3: {  	[sflag:s23] =	ssyncset.done $0x0  }
0xa4: {  	s25 =	simm.s32 $0x1B8E;
	s24 =	sld [smem:$0x3FFE];
	[sflag:s23] =	ssyncadd.s32 $0xFFFFFFFF  }
0xa5: {  	s26 =	simm.s32 $execute0_lowered;
	[smem:$0x3FD2] =	sst s25  }
0xa6: {  	s5 =	sshll.u32 s26, $0x1;
	_ =	strace $0x80000046;
	[dreg:$0x1] =	wrdreg $0xFFFFFFFF  }
0xa7: {  	s28 =	simm.s32 $_size_execute0_lowered;
	s3 =	sadd.s32 s3, s5;
	[dreg:$0x0] =	wrdreg $0x0  }
0xa8: {  	s5 =	sshll.u32 s28, $0x1;
	[dreg:$0x2] =	wrdreg s3  }
0xa9: {  	[dreg:$0x3] =	wrdreg s5  }
0xaa: {  	[dreg:$0x4] =	wrdreg $0xC0  }
0xab: {  	_ =	task [dreg:s7], $0x5FFFF  }
0xac: {  	[dreg:$0x1] =	wrdreg $0xFFFFFFFF  }
0xad: {  	[dreg:$0x0] =	wrdreg $0x60  }
0xae: {  	[dreg:$0x2] =	wrdreg s2  }
0xaf: {  	[dreg:$0x3] =	wrdreg s24  }
0xb0: {  	[dreg:$0x4] =	wrdreg $0x25000  }
0xb1: {  	[dreg:$0x5] =	wrdreg $0x9  }
0xb2: {  	_ =	task.clear_ibuf [dreg:s7], $0x6FFFF;
	_ =	strace $0x90000046  }
0xb3: {  	s29 =	simm.s32 $0x9;
	_ =	strace $0x80000048  }
0xb4: {  	_ =	swait.ge [sflag:s29], $0x1  }
0xb5: {  	[sflag:s29] =	ssyncadd.s32 $0xFFFFFFFF  }
0xb6: {  	_ =	strace $0x90000048  }
0xb7: {  	_ =	sfence  }
0xb8: {  	s30 =	sld [smem:$0x0];
	_ =	sdelay $0x2  }
0xb9: {  	s31 =	sshll.u32 s1, $0xD;
	s1 =	sshrl.u32 s1, $0x2  }
0xba: {  	s3 =	sand.u32 $0x4000, s31;
	s1 =	sadd.s32 s1, s30  }
0xbb: {  	s0 =	sor.u32 s3, s0;
	s1 =	sshll.u32 s1, $0x11  }
0xbc: {  	s0 =	sor.u32 s1, s0  }
0xbd: {  	s0 =	sadd.s32 $0x8F2B, s0  }
0xbe: {  	[sflag:s0] =	ssyncadd.remote.s32 $0x1  }
0xbf: {  	_ =	sfence.sel $0xFFFF  }
0xc0: {  	[dreg:$0x0] =	wrdreg $0xFFFFFFFF;
	(pc) =	sbr.abs _section_cstart, $3  }
0xc1: {  	[dreg:$0x1] =	wrdreg $0xFFFFFFFF  }
0xc2: {  	_ =	task.clear_ibuf [dreg:s7], $0x2FFFF;
	_ =	strace $0x9FFFFFFF  }
0xc3: {  	(tm) =	ssettm $0x7FFFFFFF  }
tec
execute0_lowered:
.L_overlay_start_1:
0x0: {  	(tag) =	ssettag $0x1  }
0x1: {  	s1 =	rddreg [dreg:$0x0]  }
0x2: {  	s5 =	rddreg [dreg:$0x1]  }
0x3: {  	s9 =	rddreg [dreg:$0x2];
	s3 =	srdreg.scid  }
0x4: {  	s0 =	rddreg [dreg:$0x3];
	s7 =	sand.u32 $0x1, s3  }
0x5: {  	s2 =	simm.s32 $0x0;
	s3 =	stileid.u32;
	s4 =	smul.u32 $0x13C00, s7  }
0x6: {  	s20 =	simm.s32 $0x1;
	s21 =	simm.s32 $0x0;
	s10 =	smul.u32 $0x16380, s3  }
0x7: {  	[smem:$0x7FF] =	sst s2;
	s14 =	sadd.s32 $0x51400, s5;
	s17 =	smul.u32 $0x163800, s7  }
0x8: {  	_ =	strace $0x80000047;
	s6 =	ssub.s32 $0x2, s7;
	s31 =	smul.u32 $0x13C0, s3  }
0x9: {  	s26 =	sshrl.u32 s6, $0x1;
	s16 =	sadd.s32 s4, s5;
	s4 =	sadd.s32 $0x1E00, s5  }
0xa: {  	s11 =	sadd.s32 $0x4800, s10;
	s15 =	ssub.s32 s6, s26;
	s28 =	sshrl.u32 s10, $0x1  }
0xb: {  	s12 =	sadd.s32 $0x9000, s10;
	s13 =	sadd.s32 $0xD800, s10;
	s18 =	sadd.s32 $0x12000, s10  }
0xc: {  	s10 =	sadd.s32 s10, s17;
	s29 =	sshrl.u32 s11, $0x1;
	s5 =	sadd.s32 s28, s9  }
0xd: {  	s8 =	sshrl.u32 s12, $0x1;
	s30 =	sshrl.u32 s13, $0x1;
	s19 =	sshrl.u32 s18, $0x1  }
0xe: {  	s10 =	sshrl.u32 s10, $0x4;
	s11 =	sadd.s32 s17, s11;
	s12 =	sadd.s32 s17, s12  }
0xf: {  	s13 =	sadd.s32 s17, s13;
	s17 =	sadd.s32 s17, s18;
	s15 =	smax.u32 s15, $0x1  }
0x10: {  	s16 =	sadd.s32 s31, s16;
	s18 =	simm.s32 $0x2;
	s6 =	sadd.s32 s29, s9  }
0x11: {  	s7 =	sadd.s32 s8, s9;
	s8 =	sadd.s32 s30, s9;
	s9 =	sadd.s32 s19, s9  }
0x12: {  	s10 =	sadd.s32 s14, s10;
	s11 =	sshrl.u32 s11, $0x4;
	s12 =	sshrl.u32 s12, $0x4  }
0x13: {  	s13 =	sshrl.u32 s13, $0x4;
	s17 =	sshrl.u32 s17, $0x4;
	s16 =	sadd.s32 $0x2400, s16  }
0x14: {  	s19 =	simm.s32 $0x80;
	s11 =	sadd.s32 s14, s11;
	s12 =	sadd.s32 s14, s12  }
0x15: {  	s13 =	sadd.s32 s14, s13;
	s14 =	sadd.s32 s14, s17;
	s17 =	simm.s32 $0x100  }
.LBB2_1:
0x16: {  	[tilespmem:s17], [sflag:$0x2] =	stream.linear.gather [hbm4b:s4+s2], $0x2400, $0x38;
	[tilespmem:$0xD6C0] =	vst v63  }
0x17: {  	_ =	swait.ge [sflag:s18], $0x2400  }
0x18: {  	[sflag:s18] =	ssyncset.done $0x0  }
0x19: {  	[sflag:s18] =	ssyncadd.s32 $0xFFFFDC00  }
0x1a: {  	[spmem:s5] =	stream.linear.scatter [tilespmem:s17], [sflag:$0x2], $0x2400, $0x38;
	[tilespmem:$0xD6C0] =	vst v63  }
0x1b: {  	_ =	swait.ge [sflag:s18], $0x2400  }
0x1c: {  	[sflag:s18] =	ssyncset.done $0x0  }
0x1d: {  	[sflag:s18] =	ssyncadd.s32 $0xFFFFDC00  }
0x1e: {  	[spmem:s6] =	stream.linear.scatter [tilespmem:s17], [sflag:$0x2], $0x2400, $0x38;
	[tilespmem:$0xD6C0] =	vst v63  }
0x1f: {  	_ =	swait.ge [sflag:s18], $0x2400  }
0x20: {  	[sflag:s18] =	ssyncset.done $0x0  }
0x21: {  	[sflag:s18] =	ssyncadd.s32 $0xFFFFDC00  }
0x22: {  	[spmem:s7] =	stream.linear.scatter [tilespmem:s17], [sflag:$0x2], $0x2400, $0x38;
	[tilespmem:$0xD6C0] =	vst v63  }
0x23: {  	_ =	swait.ge [sflag:s18], $0x2400  }
0x24: {  	[sflag:s18] =	ssyncset.done $0x0  }
0x25: {  	[sflag:s18] =	ssyncadd.s32 $0xFFFFDC00  }
0x26: {  	[spmem:s8] =	stream.linear.scatter [tilespmem:s17], [sflag:$0x2], $0x2400, $0x38;
	[tilespmem:$0xD6C0] =	vst v63  }
0x27: {  	_ =	swait.ge [sflag:s18], $0x2400  }
0x28: {  	[sflag:s18] =	ssyncset.done $0x0  }
0x29: {  	[sflag:s18] =	ssyncadd.s32 $0xFFFFDC00  }
0x2a: {  	[spmem:s9] =	stream.linear.scatter [tilespmem:s17], [sflag:$0x2], $0x21C0, $0x38;
	[tilespmem:$0xD6C0] =	vst v63  }
0x2b: {  	_ =	swait.ge [sflag:s18], $0x21C0  }
0x2c: {  	[sflag:s18] =	ssyncset.done $0x0  }
0x2d: {  	[sflag:s18] =	ssyncadd.s32 $0xFFFFDE40  }
0x2e: {  	s22 =	sadd.s32 $0x0, s16;
	[bflag:$0x0] =	sbarrier.arrive $0xFFFF  }
0x2f: {  	[tilespmem:s2], [sflag:$0x2] =	stream.linear.gather [hbm4b:s22+s2], $0x100, $0x38;
	[tilespmem:$0xD6C0] =	vst v63  }
0x30: {  	_ =	swait.ge [sflag:s18], $0x100  }
0x31: {  	[sflag:s18] =	ssyncset.done $0x0  }
0x32: {  	[sflag:s18] =	ssyncadd.s32 $0xFFFFFF00  }
0x33: {  	[tilespmem:s17], [sflag:$0x1] =	stream.indirect.gather [hbm4b:s1+s19], $0x48, s2, s19, $0xb8;
	[tilespmem:$0xD6C0] =	vst v63  }
0x34: {  	_ =	swait.ge [sflag:s20], $0x2400  }
0x35: {  	s23 =	simm.s32 $0x40;
	s22 =	simm.s32 $0x20;
	[sflag:s20] =	ssyncset.done $0x0  }
.LBB2_2:
0x36: {  	s24 =	sadd.s32 s22, s16  }
0x37: {  	[sflag:s20] =	ssyncadd.s32 $0xFFFFDC00;
	s22 =	smov.u32 s23;
	s25 =	sadd.s32 $0x20, s23  }
0x38: {  	[tilespmem:s2], [sflag:$0x2] =	stream.linear.gather [hbm4b:s24+s2], $0x100, $0x38;
	[tilespmem:$0xD6C0] =	vst v63  }
0x39: {  	p0 =	sne.s32 s23, $0x13A0;
	_ =	swait.ge [sflag:s18], $0x100  }
.Ltmp0:
0x3a: {  	[sflag:s18] =	ssyncset.done $0x0;
	(pc) =	sbr.rel @p0 .LBB2_2-.Ltmp0, $4  }
0x3b: {  	[sflag:s18] =	ssyncadd.s32 $0xFFFFFF00  }
0x3c: {  	[tilespmem:s17], [sflag:$0x1] =	stream.indirect.gather [hbm4b:s1+s19], $0x48, s2, s19, $0xb8;
	[tilespmem:$0xD6C0] =	vst v63  }
0x3d: {  	_ =	swait.ge [sflag:s20], $0x2400  }
0x3e: {  	s23 =	smov.u32 s25;
	[sflag:s20] =	ssyncset.done $0x0  }
0x3f: {  	s22 =	sadd.s32 s22, s16;
	[sflag:s20] =	ssyncadd.s32 $0xFFFFDC00  }
0x40: {  	[tilespmem:s2], [sflag:$0x2] =	stream.linear.gather [hbm4b:s22+s2], $0x100, $0x38;
	[tilespmem:$0xD6C0] =	vst v63  }
0x41: {  	_ =	swait.ge [sflag:s18], $0x100  }
0x42: {  	[sflag:s18] =	ssyncset.done $0x0  }
0x43: {  	[sflag:s18] =	ssyncadd.s32 $0xFFFFFF00  }
0x44: {  	[tilespmem:s17], [sflag:$0x1] =	stream.indirect.gather [hbm4b:s1+s19], $0x48, s2, s19, $0xb8;
	[tilespmem:$0xD6C0] =	vst v63  }
0x45: {  	_ =	swait.ge [sflag:s20], $0x2400  }
0x46: {  	[sflag:s20] =	ssyncset.done $0x0  }
0x47: {  	[sflag:s20] =	ssyncadd.s32 $0xFFFFDC00  }
0x48: {  	[bflag:$0x0] =	sbarrier.arrive $0xFFFF  }
0x49: {  	[tilespmem:s17], [sflag:$0x2] =	stream.linear.gather [spmem:s5], $0x2400, $0x38;
	[tilespmem:$0xD6C0] =	vst v63  }
0x4a: {  	_ =	swait.ge [sflag:s18], $0x2400  }
0x4b: {  	[sflag:s18] =	ssyncset.done $0x0  }
0x4c: {  	[sflag:s18] =	ssyncadd.s32 $0xFFFFDC00  }
0x4d: {  	[hbm4b:s10+s2] =	stream.linear.scatter [tilespmem:s17], [sflag:$0x2], $0x2400, $0x38;
	[tilespmem:$0xD6C0] =	vst v63  }
0x4e: {  	_ =	swait.ge [sflag:s18], $0x2400  }
0x4f: {  	[sflag:s18] =	ssyncset.done $0x0  }
0x50: {  	[sflag:s18] =	ssyncadd.s32 $0xFFFFDC00  }
0x51: {  	[tilespmem:s17], [sflag:$0x2] =	stream.linear.gather [spmem:s6], $0x2400, $0x38;
	[tilespmem:$0xD6C0] =	vst v63  }
0x52: {  	_ =	swait.ge [sflag:s18], $0x2400  }
0x53: {  	[sflag:s18] =	ssyncset.done $0x0  }
0x54: {  	[sflag:s18] =	ssyncadd.s32 $0xFFFFDC00  }
0x55: {  	[hbm4b:s11+s2] =	stream.linear.scatter [tilespmem:s17], [sflag:$0x2], $0x2400, $0x38;
	[tilespmem:$0xD6C0] =	vst v63  }
0x56: {  	_ =	swait.ge [sflag:s18], $0x2400  }
0x57: {  	[sflag:s18] =	ssyncset.done $0x0  }
0x58: {  	[sflag:s18] =	ssyncadd.s32 $0xFFFFDC00  }
0x59: {  	[tilespmem:s17], [sflag:$0x2] =	stream.linear.gather [spmem:s7], $0x2400, $0x38;
	[tilespmem:$0xD6C0] =	vst v63  }
0x5a: {  	_ =	swait.ge [sflag:s18], $0x2400  }
0x5b: {  	[sflag:s18] =	ssyncset.done $0x0  }
0x5c: {  	[sflag:s18] =	ssyncadd.s32 $0xFFFFDC00  }
0x5d: {  	[hbm4b:s12+s2] =	stream.linear.scatter [tilespmem:s17], [sflag:$0x2], $0x2400, $0x38;
	[tilespmem:$0xD6C0] =	vst v63  }
0x5e: {  	_ =	swait.ge [sflag:s18], $0x2400  }
0x5f: {  	[sflag:s18] =	ssyncset.done $0x0  }
0x60: {  	[sflag:s18] =	ssyncadd.s32 $0xFFFFDC00  }
0x61: {  	[tilespmem:s17], [sflag:$0x2] =	stream.linear.gather [spmem:s8], $0x2400, $0x38;
	[tilespmem:$0xD6C0] =	vst v63  }
0x62: {  	_ =	swait.ge [sflag:s18], $0x2400  }
0x63: {  	[sflag:s18] =	ssyncset.done $0x0  }
0x64: {  	[sflag:s18] =	ssyncadd.s32 $0xFFFFDC00  }
0x65: {  	[hbm4b:s13+s2] =	stream.linear.scatter [tilespmem:s17], [sflag:$0x2], $0x2400, $0x38;
	[tilespmem:$0xD6C0] =	vst v63  }
0x66: {  	_ =	swait.ge [sflag:s18], $0x2400  }
0x67: {  	[sflag:s18] =	ssyncset.done $0x0  }
0x68: {  	[sflag:s18] =	ssyncadd.s32 $0xFFFFDC00  }
0x69: {  	[tilespmem:s17], [sflag:$0x2] =	stream.linear.gather [spmem:s9], $0x21C0, $0x38;
	[tilespmem:$0xD6C0] =	vst v63  }
0x6a: {  	s21 =	sadd.s32 $0x1, s21;
	_ =	swait.ge [sflag:s18], $0x21C0  }
0x6b: {  	p0 =	sne.s32 s21, s15;
	[sflag:s18] =	ssyncset.done $0x0  }
.Ltmp1:
0x6c: {  	[sflag:s18] =	ssyncadd.s32 $0xFFFFDE40;
	(pc) =	sbr.rel @p0 .LBB2_1-.Ltmp1, $4  }
0x6d: {  	[hbm4b:s14+s2] =	stream.linear.scatter [tilespmem:s17], [sflag:$0x2], $0x21C0, $0x38;
	[tilespmem:$0xD6C0] =	vst v63  }
0x6e: {  	_ =	swait.ge [sflag:s18], $0x21C0  }
0x6f: {  	[sflag:s18] =	ssyncset.done $0x0  }
0x70: {  	[sflag:s18] =	ssyncadd.s32 $0xFFFFDE40  }
0x71: {  	_ =	sfence.sel $0x180000  }
0x72: {  	[bflag:$0x0] =	sbarrier.arrive $0xFFFF  }
0x73: {  	p0 =	sne.s32 s3, $0x0;
	_ =	strace $0x90000047  }
0x74: {  	s0 =	sadd.s32 @!p0 $0x100000, s0;
	[bflag:$0x2] =	sbarrier.arrive $0xFFFF  }
0x75: {  	[sflag:s0] =	ssyncadd.tile.s32 @!p0 $0x1;
	_ =	shalt  }
.Lfunc_end2:
_tile_overlayer_lowered:
.L_overlay_start_2:
0x76: {  	(tag) =	ssettag $0x2  }
0x77: {  	s0 =	rddreg [dreg:$0x0];
	s2 =	stileid.u32  }
0x78: {  	s1 =	rddreg [dreg:$0x1];
	p0 =	sne.s32 s2, $0x0  }
0x79: {  	s3 =	rddreg [dreg:$0x2];
	[bflag:$0x3] =	sbarrier.arrive $0xFFFF;
	s2 =	simm.s32 @!p0 $0x1C02  }
0x7a: {  	[timem:s3], [sflag:s2] =	dma.local @!p0 [hbm:s0], s1  }
0x7b: {  	s0 =	simm.s32 @!p0 $0x2  }
0x7c: {  	_ =	swait.ge @!p0 [sflag:s0], s1  }
0x7d: {  	s1 =	ssub.s32 @!p0 $0x0, s1;
	[sflag:s0] =	ssyncset.done @!p0 $0x0  }
0x7e: {  	[sflag:s0] =	ssyncadd.s32 @!p0 s1  }
0x7f: {  	[bflag:$0x3] =	sbarrier.arrive $0xFFFF  }
0x80: {  	_ =	shalt  }

// kernel: kernel.9.cloned.1.call-start
scs
__scs_entry_jumppad:
0x0: {  	(pc) =	sbr.rel $0x88, $3  }
0x1: {  	(tag) =	ssettag $0x0;
	lr =	simm.s32 $0x1  }
0x2: {  	[smem:$0x3F91] =	sst lr;
	_ =	strace $0xD0000000  }
0x3: {  	_ = 	snop  }
0x4: {  	_ = 	snop  }
0x5: {  	_ = 	snop  }
0x6: {  	_ = 	snop  }
0x7: {  	_ = 	snop  }
__scs_overlays_trampoline_lowered:
0x8: {  	[smem:$0x3FA0] =	sst s0  }
0x9: {  	[smem:$0x3FA1] =	sst s1  }
0xa: {  	[smem:$0x3FA2] =	sst s2  }
0xb: {  	[smem:$0x3FA3] =	sst s3  }
0xc: {  	[smem:$0x3FA4] =	sst s4  }
0xd: {  	[smem:$0x3FA5] =	sst s5  }
0xe: {  	[smem:$0x3FA6] =	sst s6  }
0xf: {  	[smem:$0x3FA7] =	sst s7  }
0x10: {  	[smem:$0x3FA8] =	sst s8  }
0x11: {  	[smem:$0x3FA9] =	sst s9;
	s0 =	simm.s32 @!p0 $0x0  }
0x12: {  	s1 =	sld [smem:$0x3F8F];
	s0 =	simm.s32 @p0 $0x1  }
0x13: {  	[smem:$0x3FAA] =	sst s0;
	s0 =	simm.s32 @!p1 $0x0  }
0x14: {  	s2 =	sld [smem:$0x3F8E];
	s0 =	simm.s32 @p1 $0x1  }
0x15: {  	[smem:$0x3FAB] =	sst s0;
	s0 =	simm.s32 @!p2 $0x0  }
0x16: {  	s3 =	sld [smem:$0x3FDB];
	s0 =	simm.s32 @p2 $0x1  }
0x17: {  	s4 =	simm.s32 $0x1BF5;
	[smem:$0x3FAD] =	sst s0  }
0x18: {  	s0 =	sld [smem:$0x3F90];
	_ =	swait.ge [sflag:s4], $0x0  }
0x19: {  	s7 =	sld [smem:$0x3F91]  }
0x1a: {  	s8 =	sadd.s32 $0xFFFFE003, lr  }
0x1b: {  	s9 =	sadd.s32 $0xFFFFFEF7, lr;
	s5 =	simm.s32 $0xFFFFFFFF;
	p2 =	slt.u32 s8, $0xFFFFF086  }
0x1c: {  	p1 =	slt.u32 s9, $0xF7A;
	s5 =	simm.s32 @!p2 $0x0  }
0x1d: {  	s5 =	simm.s32 @p1 $0x1;
	p0 =	seq.s32 s7, s2  }
0x1e: {  	s7 =	smul.u32 @!p0 $0xF7A, s2;
	p2 =	seq.s32 @!p0 s5, $0x0  }
0x1f: {  	s9 =	smul.u32 $0xF7A, s1;
	s8 =	simm.s32 @!p0 $0x1BF5;
	p2 =	por !p2, p0  }
0x20: {  	[sflag:s8] =	ssyncset.s32 @!p0 $0xFFFFF086;
	s6 =	sadd.s32 @!p0 s3, s7;
	s7 =	simm.s32 @!p0 $0x108  }
0x21: {  	s3 =	sadd.s32 s3, s9;
	s6 =	sadd.s32 @!p0 $0x88, s6;
	s7 =	simm.s32 @p2 $0x1082  }
0x22: {  	[simem:s7], [sflag:s8] =	dma.local @!p0 [hbm:s6], $0xF7A  }
0x23: {  	s9 =	sor.u32 $0xD0000000, s2;
	s6 =	simm.s32 $0x108;
	_ =	swait.ge @!p0 [sflag:s8], $0x0  }
0x24: {  	s3 =	sadd.s32 $0x88, s3;
	s6 =	simm.s32 @!p1 $0x1082;
	[sflag:s4] =	ssyncset.s32 $0xFFFFF086  }
0x25: {  	[simem:s6], [sflag:s4] =	dma.local [hbm:s3], $0xF7A  }
0x26: {  	[smem:$0x3F91] =	sst s1;
	(tag) =	ssettag s2;
	_ =	strace s9  }
0x27: {  	s1 =	sld [smem:$0x3FA1]  }
0x28: {  	s2 =	sld [smem:$0x3FA2]  }
0x29: {  	s4 =	sld [smem:$0x3FA4]  }
0x2a: {  	p0 =	seq.s32 s5, $0x0;
	s5 =	sld [smem:$0x3FA5]  }
0x2b: {  	s6 =	sld [smem:$0x3FA6]  }
0x2c: {  	s7 =	sld [smem:$0x3FA7]  }
0x2d: {  	s3 =	simm.s32 $0x108;
	s8 =	sld [smem:$0x3FA8]  }
0x2e: {  	s3 =	simm.s32 @!p0 $0x1082;
	s9 =	sld [smem:$0x3FA9]  }
0x2f: {  	lr =	sadd.s32 s0, s3;
	s0 =	sld [smem:$0x3FA0]  }
0x30: {  	s3 =	sld [smem:$0x3FA3]  }
0x31: {  	[smem:$0x3FAC] =	sst s10  }
0x32: {  	s10 =	sld [smem:$0x3FAA];
	_ =	sdelay $0x3  }
0x33: {  	p0 =	seq.s32 s10, $0x1;
	s10 =	sld [smem:$0x3FAC];
	_ =	sdelay $0x3  }
0x34: {  	[smem:$0x3FAC] =	sst s10  }
0x35: {  	s10 =	sld [smem:$0x3FAB];
	_ =	sdelay $0x3  }
0x36: {  	p1 =	seq.s32 s10, $0x1;
	s10 =	sld [smem:$0x3FAC];
	_ =	sdelay $0x3  }
0x37: {  	[smem:$0x3FAC] =	sst s10  }
0x38: {  	s10 =	sld [smem:$0x3FAD]  }
0x39: {  	_ = 	snop;
	(pc) =	sbr.ind lr, $3  }
0x3a: {  	_ = 	snop  }
0x3b: {  	_ = 	snop  }
0x3c: {  	p2 =	seq.s32 s10, $0x1;
	s10 =	sld [smem:$0x3FAC]  }
0x3d: {  	_ =	shalt  }
0x3e: {  	_ =	shalt  }
0x3f: {  	_ =	shalt  }
0x40: {  	_ =	shalt  }
0x41: {  	_ =	shalt  }
0x42: {  	_ =	shalt  }
0x43: {  	_ =	shalt  }
0x44: {  	_ =	shalt  }
0x45: {  	_ =	shalt  }
0x46: {  	_ =	shalt  }
0x47: {  	_ =	shalt  }
0x48: {  	_ =	shalt  }
0x49: {  	_ =	shalt  }
0x4a: {  	_ =	shalt  }
0x4b: {  	_ =	shalt  }
0x4c: {  	_ =	shalt  }
0x4d: {  	_ =	shalt  }
0x4e: {  	_ =	shalt  }
0x4f: {  	_ =	shalt  }
0x50: {  	_ =	shalt  }
0x51: {  	_ =	shalt  }
0x52: {  	_ =	shalt  }
0x53: {  	_ =	shalt  }
0x54: {  	_ =	shalt  }
0x55: {  	_ =	shalt  }
0x56: {  	_ =	shalt  }
0x57: {  	_ =	shalt  }
0x58: {  	_ =	shalt  }
0x59: {  	_ =	shalt  }
0x5a: {  	_ =	shalt  }
0x5b: {  	_ =	shalt  }
0x5c: {  	_ =	shalt  }
0x5d: {  	_ =	shalt  }
0x5e: {  	_ =	shalt  }
0x5f: {  	_ =	shalt  }
0x60: {  	_ =	shalt  }
0x61: {  	_ =	shalt  }
0x62: {  	_ =	shalt  }
0x63: {  	_ =	shalt  }
0x64: {  	_ =	shalt  }
0x65: {  	_ =	shalt  }
0x66: {  	_ =	shalt  }
0x67: {  	_ =	shalt  }
0x68: {  	_ =	shalt  }
0x69: {  	_ =	shalt  }
0x6a: {  	_ =	shalt  }
0x6b: {  	_ =	shalt  }
0x6c: {  	_ =	shalt  }
0x6d: {  	_ =	shalt  }
0x6e: {  	_ =	shalt  }
0x6f: {  	_ =	shalt  }
0x70: {  	_ =	shalt  }
0x71: {  	_ =	shalt  }
0x72: {  	_ =	shalt  }
0x73: {  	_ =	shalt  }
0x74: {  	_ =	shalt  }
0x75: {  	_ =	shalt  }
0x76: {  	_ =	shalt  }
0x77: {  	_ =	shalt  }
0x78: {  	_ =	shalt  }
0x79: {  	_ =	shalt  }
0x7a: {  	_ =	shalt  }
0x7b: {  	_ =	shalt  }
0x7c: {  	_ =	shalt  }
0x7d: {  	_ =	shalt  }
0x7e: {  	_ =	shalt  }
0x7f: {  	_ =	shalt  }
0x80: {  	_ =	shalt  }
0x81: {  	_ =	shalt  }
0x82: {  	_ =	shalt  }
0x83: {  	_ =	shalt  }
0x84: {  	_ =	shalt  }
0x85: {  	_ =	shalt  }
0x86: {  	_ =	shalt  }
0x87: {  	_ =	shalt  }
.Lfunc_end0:
.L_simem_size_0:
called_computation.1_lowered:
.L_overlay_start_0:
0x88: {  	s2 =	sld [smem:$0x3FD9]  }
0x89: {  	s3 =	sld [smem:$0x3FFE];
	_ =	sdelay $0x1  }
0x8a: {  	s1 =	srdreg.scid  }
0x8b: {  	s0 =	sand.u32 $0x1, s1  }
0x8c: {  	s16 =	sshll.u32 s0, $0xA;
	s2 =	sadd.s32 s3, s2  }
0x8d: {  	s2 =	sadd.s32 s2, s16  }
0x8e: {  	[smem:$0x3FB8] =	sst s2  }
0x8f: {  	_ = 	snop  }
0x90: {  	(tm) =	ssettm $0x1  }
0x91: {  	s17 =	sld [smem:$0x3FFB];
	_ =	sdelay $0x3  }
0x92: {  	_ =	strace s17  }
0x93: {  	s2 =	sld [smem:$0x3FFC];
	_ =	sdelay $0x3  }
0x94: {  	_ =	strace s2  }
0x95: {  	s2 =	sld [smem:$0x3FFD];
	_ =	sdelay $0x3  }
0x96: {  	_ =	strace s2  }
0x97: {  	_ =	strace $0x8FFFFFFF  }
0x98: {  	s18 =	sld [smem:$0x3FDB];
	_ =	sdelay $0x1  }
0x99: {  	s19 =	simm.s32 $_scs_section_size  }
0x9a: {  	s4 =	simm.s32 $_size__tile_overlayer_lowered;
	s5 =	simm.s32 $_tile_overlayer_lowered  }
0x9b: {  	s22 =	simm.s32 $0x1BFF;
	s21 =	sshll.u32 s5, $0x1;
	s2 =	sadd.s32 s19, s18  }
0x9c: {  	s6 =	simm.s32 $0x0;
	s20 =	sshll.u32 s4, $0x1;
	s4 =	sadd.s32 s21, s2  }
0x9d: {  	[timem:s6], [sflag:s22] =	dma.local [hbm:s4], s20  }
0x9e: {  	_ =	swait.ge [sflag:s22], s20  }
0x9f: {  	s3 =	ssub.s32 $0x0, s20;
	[sflag:s22] =	ssyncset.done $0x0  }
0xa0: {  	[sflag:s22] =	ssyncadd.s32 s3;
	_ =	sdelay $0x1  }
0xa1: {  	s23 =	simm.s32 $0x1B8B  }
0xa2: {  	_ =	swait.ge [sflag:s23], $0x1  }
0xa3: {  	[sflag:s23] =	ssyncset.done $0x0  }
0xa4: {  	s25 =	simm.s32 $0x1B8E;
	s24 =	sld [smem:$0x3FFE];
	[sflag:s23] =	ssyncadd.s32 $0xFFFFFFFF  }
0xa5: {  	s26 =	simm.s32 $execute0_lowered;
	[smem:$0x3FD2] =	sst s25  }
0xa6: {  	s4 =	sshll.u32 s26, $0x1;
	_ =	strace $0x80000049;
	[dreg:$0x1] =	wrdreg $0xFFFFFFFF  }
0xa7: {  	s28 =	simm.s32 $_size_execute0_lowered;
	s2 =	sadd.s32 s2, s4;
	[dreg:$0x0] =	wrdreg $0x0  }
0xa8: {  	s4 =	sshll.u32 s28, $0x1;
	[dreg:$0x2] =	wrdreg s2  }
0xa9: {  	[dreg:$0x3] =	wrdreg s4  }
0xaa: {  	[dreg:$0x4] =	wrdreg $0xC0  }
0xab: {  	_ =	task [dreg:s6], $0x5FFFF  }
0xac: {  	[dreg:$0x1] =	wrdreg $0xFFFFFFFF  }
0xad: {  	[dreg:$0x0] =	wrdreg $0x60  }
0xae: {  	[dreg:$0x2] =	wrdreg s24  }
0xaf: {  	[dreg:$0x3] =	wrdreg $0x25000  }
0xb0: {  	[dreg:$0x4] =	wrdreg $0x9  }
0xb1: {  	_ =	task.clear_ibuf [dreg:s6], $0x5FFFF;
	_ =	strace $0x90000049  }
0xb2: {  	s29 =	simm.s32 $0x9;
	_ =	strace $0x8000004B  }
0xb3: {  	_ =	swait.ge [sflag:s29], $0x1  }
0xb4: {  	[sflag:s29] =	ssyncadd.s32 $0xFFFFFFFF  }
0xb5: {  	_ =	strace $0x9000004B  }
0xb6: {  	_ =	sfence  }
0xb7: {  	s30 =	sld [smem:$0x0];
	_ =	sdelay $0x2  }
0xb8: {  	s31 =	sshll.u32 s1, $0xD;
	s1 =	sshrl.u32 s1, $0x2  }
0xb9: {  	s3 =	sand.u32 $0x4000, s31;
	s1 =	sadd.s32 s1, s30  }
0xba: {  	s0 =	sor.u32 s3, s0;
	s1 =	sshll.u32 s1, $0x11  }
0xbb: {  	s0 =	sor.u32 s1, s0  }
0xbc: {  	s0 =	sadd.s32 $0x8F2B, s0  }
0xbd: {  	[sflag:s0] =	ssyncadd.remote.s32 $0x1  }
0xbe: {  	_ =	sfence.sel $0xFFFF  }
0xbf: {  	[dreg:$0x0] =	wrdreg $0xFFFFFFFF;
	(pc) =	sbr.abs _section_cstart, $3  }
0xc0: {  	[dreg:$0x1] =	wrdreg $0xFFFFFFFF  }
0xc1: {  	_ =	task.clear_ibuf [dreg:s6], $0x2FFFF;
	_ =	strace $0x9FFFFFFF  }
0xc2: {  	(tm) =	ssettm $0x7FFFFFFF  }
0xc3: {  	_ =	shalt  }
tec
execute0_lowered:
.L_overlay_start_1:
0x0: {  	(tag) =	ssettag $0x1  }
0x1: {  	s5 =	rddreg [dreg:$0x0]  }
0x2: {  	s9 =	rddreg [dreg:$0x1];
	s2 =	srdreg.scid  }
0x3: {  	s0 =	rddreg [dreg:$0x2];
	s1 =	simm.s32 $0x0;
	s7 =	sand.u32 $0x1, s2  }
0x4: {  	s20 =	simm.s32 $0x1;
	s2 =	stileid.u32;
	s4 =	smul.u32 $0x13C00, s7  }
0x5: {  	[smem:$0x7FF] =	sst s1;
	s3 =	sadd.s32 $0xED800, s5;
	s10 =	smul.u32 $0x16380, s2  }
0x6: {  	s21 =	simm.s32 $0x0;
	s14 =	sadd.s32 $0x119800, s5;
	s17 =	smul.u32 $0x163800, s7  }
0x7: {  	_ =	strace $0x8000004A;
	s6 =	ssub.s32 $0x2, s7;
	s31 =	smul.u32 $0x13C0, s2  }
0x8: {  	s26 =	sshrl.u32 s6, $0x1;
	s16 =	sadd.s32 s4, s5;
	s4 =	sadd.s32 $0x1E00, s5  }
0x9: {  	s11 =	sadd.s32 $0x4800, s10;
	s15 =	ssub.s32 s6, s26;
	s28 =	sshrl.u32 s10, $0x1  }
0xa: {  	s12 =	sadd.s32 $0x9000, s10;
	s13 =	sadd.s32 $0xD800, s10;
	s18 =	sadd.s32 $0x12000, s10  }
0xb: {  	s10 =	sadd.s32 s10, s17;
	s29 =	sshrl.u32 s11, $0x1;
	s5 =	sadd.s32 s28, s9  }
0xc: {  	s8 =	sshrl.u32 s12, $0x1;
	s30 =	sshrl.u32 s13, $0x1;
	s19 =	sshrl.u32 s18, $0x1  }
0xd: {  	s10 =	sshrl.u32 s10, $0x4;
	s11 =	sadd.s32 s17, s11;
	s12 =	sadd.s32 s17, s12  }
0xe: {  	s13 =	sadd.s32 s17, s13;
	s17 =	sadd.s32 s17, s18;
	s15 =	smax.u32 s15, $0x1  }
0xf: {  	s16 =	sadd.s32 s31, s16;
	s18 =	simm.s32 $0x2;
	s6 =	sadd.s32 s29, s9  }
0x10: {  	s7 =	sadd.s32 s8, s9;
	s8 =	sadd.s32 s30, s9;
	s9 =	sadd.s32 s19, s9  }
0x11: {  	s10 =	sadd.s32 s14, s10;
	s11 =	sshrl.u32 s11, $0x4;
	s12 =	sshrl.u32 s12, $0x4  }
0x12: {  	s13 =	sshrl.u32 s13, $0x4;
	s17 =	sshrl.u32 s17, $0x4;
	s16 =	sadd.s32 $0x29C00, s16  }
0x13: {  	s19 =	simm.s32 $0x80;
	s11 =	sadd.s32 s14, s11;
	s12 =	sadd.s32 s14, s12  }
0x14: {  	s13 =	sadd.s32 s14, s13;
	s14 =	sadd.s32 s14, s17;
	s17 =	simm.s32 $0x100  }
.LBB2_1:
0x15: {  	[tilespmem:s17], [sflag:$0x2] =	stream.linear.gather [hbm4b:s4+s1], $0x2400, $0x38;
	[tilespmem:$0xD6C0] =	vst v63  }
0x16: {  	_ =	swait.ge [sflag:s18], $0x2400  }
0x17: {  	[sflag:s18] =	ssyncset.done $0x0  }
0x18: {  	[sflag:s18] =	ssyncadd.s32 $0xFFFFDC00  }
0x19: {  	[spmem:s5] =	stream.linear.scatter [tilespmem:s17], [sflag:$0x2], $0x2400, $0x38;
	[tilespmem:$0xD6C0] =	vst v63  }
0x1a: {  	_ =	swait.ge [sflag:s18], $0x2400  }
0x1b: {  	[sflag:s18] =	ssyncset.done $0x0  }
0x1c: {  	[sflag:s18] =	ssyncadd.s32 $0xFFFFDC00  }
0x1d: {  	[spmem:s6] =	stream.linear.scatter [tilespmem:s17], [sflag:$0x2], $0x2400, $0x38;
	[tilespmem:$0xD6C0] =	vst v63  }
0x1e: {  	_ =	swait.ge [sflag:s18], $0x2400  }
0x1f: {  	[sflag:s18] =	ssyncset.done $0x0  }
0x20: {  	[sflag:s18] =	ssyncadd.s32 $0xFFFFDC00  }
0x21: {  	[spmem:s7] =	stream.linear.scatter [tilespmem:s17], [sflag:$0x2], $0x2400, $0x38;
	[tilespmem:$0xD6C0] =	vst v63  }
0x22: {  	_ =	swait.ge [sflag:s18], $0x2400  }
0x23: {  	[sflag:s18] =	ssyncset.done $0x0  }
0x24: {  	[sflag:s18] =	ssyncadd.s32 $0xFFFFDC00  }
0x25: {  	[spmem:s8] =	stream.linear.scatter [tilespmem:s17], [sflag:$0x2], $0x2400, $0x38;
	[tilespmem:$0xD6C0] =	vst v63  }
0x26: {  	_ =	swait.ge [sflag:s18], $0x2400  }
0x27: {  	[sflag:s18] =	ssyncset.done $0x0  }
0x28: {  	[sflag:s18] =	ssyncadd.s32 $0xFFFFDC00  }
0x29: {  	[spmem:s9] =	stream.linear.scatter [tilespmem:s17], [sflag:$0x2], $0x21C0, $0x38;
	[tilespmem:$0xD6C0] =	vst v63  }
0x2a: {  	_ =	swait.ge [sflag:s18], $0x21C0  }
0x2b: {  	[sflag:s18] =	ssyncset.done $0x0  }
0x2c: {  	[sflag:s18] =	ssyncadd.s32 $0xFFFFDE40  }
0x2d: {  	s22 =	sadd.s32 $0x0, s16;
	[bflag:$0x0] =	sbarrier.arrive $0xFFFF  }
0x2e: {  	[tilespmem:s1], [sflag:$0x2] =	stream.linear.gather [hbm4b:s22+s1], $0x100, $0x38;
	[tilespmem:$0xD6C0] =	vst v63  }
0x2f: {  	_ =	swait.ge [sflag:s18], $0x100  }
0x30: {  	[sflag:s18] =	ssyncset.done $0x0  }
0x31: {  	[sflag:s18] =	ssyncadd.s32 $0xFFFFFF00  }
0x32: {  	[tilespmem:s17], [sflag:$0x1] =	stream.indirect.gather [hbm4b:s3+s19], $0x48, s1, s19, $0xb8;
	[tilespmem:$0xD6C0] =	vst v63  }
0x33: {  	_ =	swait.ge [sflag:s20], $0x2400  }
0x34: {  	s23 =	simm.s32 $0x40;
	s22 =	simm.s32 $0x20;
	[sflag:s20] =	ssyncset.done $0x0  }
.LBB2_2:
0x35: {  	s24 =	sadd.s32 s22, s16  }
0x36: {  	[sflag:s20] =	ssyncadd.s32 $0xFFFFDC00;
	s22 =	smov.u32 s23;
	s25 =	sadd.s32 $0x20, s23  }
0x37: {  	[tilespmem:s1], [sflag:$0x2] =	stream.linear.gather [hbm4b:s24+s1], $0x100, $0x38;
	[tilespmem:$0xD6C0] =	vst v63  }
0x38: {  	p0 =	sne.s32 s23, $0x13A0;
	_ =	swait.ge [sflag:s18], $0x100  }
.Ltmp0:
0x39: {  	[sflag:s18] =	ssyncset.done $0x0;
	(pc) =	sbr.rel @p0 .LBB2_2-.Ltmp0, $4  }
0x3a: {  	[sflag:s18] =	ssyncadd.s32 $0xFFFFFF00  }
0x3b: {  	[tilespmem:s17], [sflag:$0x1] =	stream.indirect.gather [hbm4b:s3+s19], $0x48, s1, s19, $0xb8;
	[tilespmem:$0xD6C0] =	vst v63  }
0x3c: {  	_ =	swait.ge [sflag:s20], $0x2400  }
0x3d: {  	s23 =	smov.u32 s25;
	[sflag:s20] =	ssyncset.done $0x0  }
0x3e: {  	s22 =	sadd.s32 s22, s16;
	[sflag:s20] =	ssyncadd.s32 $0xFFFFDC00  }
0x3f: {  	[tilespmem:s1], [sflag:$0x2] =	stream.linear.gather [hbm4b:s22+s1], $0x100, $0x38;
	[tilespmem:$0xD6C0] =	vst v63  }
0x40: {  	_ =	swait.ge [sflag:s18], $0x100  }
0x41: {  	[sflag:s18] =	ssyncset.done $0x0  }
0x42: {  	[sflag:s18] =	ssyncadd.s32 $0xFFFFFF00  }
0x43: {  	[tilespmem:s17], [sflag:$0x1] =	stream.indirect.gather [hbm4b:s3+s19], $0x48, s1, s19, $0xb8;
	[tilespmem:$0xD6C0] =	vst v63  }
0x44: {  	_ =	swait.ge [sflag:s20], $0x2400  }
0x45: {  	[sflag:s20] =	ssyncset.done $0x0  }
0x46: {  	[sflag:s20] =	ssyncadd.s32 $0xFFFFDC00  }
0x47: {  	[bflag:$0x0] =	sbarrier.arrive $0xFFFF  }
0x48: {  	[tilespmem:s17], [sflag:$0x2] =	stream.linear.gather [spmem:s5], $0x2400, $0x38;
	[tilespmem:$0xD6C0] =	vst v63  }
0x49: {  	_ =	swait.ge [sflag:s18], $0x2400  }
0x4a: {  	[sflag:s18] =	ssyncset.done $0x0  }
0x4b: {  	[sflag:s18] =	ssyncadd.s32 $0xFFFFDC00  }
0x4c: {  	[hbm4b:s10+s1] =	stream.linear.scatter [tilespmem:s17], [sflag:$0x2], $0x2400, $0x38;
	[tilespmem:$0xD6C0] =	vst v63  }
0x4d: {  	_ =	swait.ge [sflag:s18], $0x2400  }
0x4e: {  	[sflag:s18] =	ssyncset.done $0x0  }
0x4f: {  	[sflag:s18] =	ssyncadd.s32 $0xFFFFDC00  }
0x50: {  	[tilespmem:s17], [sflag:$0x2] =	stream.linear.gather [spmem:s6], $0x2400, $0x38;
	[tilespmem:$0xD6C0] =	vst v63  }
0x51: {  	_ =	swait.ge [sflag:s18], $0x2400  }
0x52: {  	[sflag:s18] =	ssyncset.done $0x0  }
0x53: {  	[sflag:s18] =	ssyncadd.s32 $0xFFFFDC00  }
0x54: {  	[hbm4b:s11+s1] =	stream.linear.scatter [tilespmem:s17], [sflag:$0x2], $0x2400, $0x38;
	[tilespmem:$0xD6C0] =	vst v63  }
0x55: {  	_ =	swait.ge [sflag:s18], $0x2400  }
0x56: {  	[sflag:s18] =	ssyncset.done $0x0  }
0x57: {  	[sflag:s18] =	ssyncadd.s32 $0xFFFFDC00  }
0x58: {  	[tilespmem:s17], [sflag:$0x2] =	stream.linear.gather [spmem:s7], $0x2400, $0x38;
	[tilespmem:$0xD6C0] =	vst v63  }
0x59: {  	_ =	swait.ge [sflag:s18], $0x2400  }
0x5a: {  	[sflag:s18] =	ssyncset.done $0x0  }
0x5b: {  	[sflag:s18] =	ssyncadd.s32 $0xFFFFDC00  }
0x5c: {  	[hbm4b:s12+s1] =	stream.linear.scatter [tilespmem:s17], [sflag:$0x2], $0x2400, $0x38;
	[tilespmem:$0xD6C0] =	vst v63  }
0x5d: {  	_ =	swait.ge [sflag:s18], $0x2400  }
0x5e: {  	[sflag:s18] =	ssyncset.done $0x0  }
0x5f: {  	[sflag:s18] =	ssyncadd.s32 $0xFFFFDC00  }
0x60: {  	[tilespmem:s17], [sflag:$0x2] =	stream.linear.gather [spmem:s8], $0x2400, $0x38;
	[tilespmem:$0xD6C0] =	vst v63  }
0x61: {  	_ =	swait.ge [sflag:s18], $0x2400  }
0x62: {  	[sflag:s18] =	ssyncset.done $0x0  }
0x63: {  	[sflag:s18] =	ssyncadd.s32 $0xFFFFDC00  }
0x64: {  	[hbm4b:s13+s1] =	stream.linear.scatter [tilespmem:s17], [sflag:$0x2], $0x2400, $0x38;
	[tilespmem:$0xD6C0] =	vst v63  }
0x65: {  	_ =	swait.ge [sflag:s18], $0x2400  }
0x66: {  	[sflag:s18] =	ssyncset.done $0x0  }
0x67: {  	[sflag:s18] =	ssyncadd.s32 $0xFFFFDC00  }
0x68: {  	[tilespmem:s17], [sflag:$0x2] =	stream.linear.gather [spmem:s9], $0x21C0, $0x38;
	[tilespmem:$0xD6C0] =	vst v63  }
0x69: {  	s21 =	sadd.s32 $0x1, s21;
	_ =	swait.ge [sflag:s18], $0x21C0  }
0x6a: {  	p0 =	sne.s32 s21, s15;
	[sflag:s18] =	ssyncset.done $0x0  }
.Ltmp1:
0x6b: {  	[sflag:s18] =	ssyncadd.s32 $0xFFFFDE40;
	(pc) =	sbr.rel @p0 .LBB2_1-.Ltmp1, $4  }
0x6c: {  	[hbm4b:s14+s1] =	stream.linear.scatter [tilespmem:s17], [sflag:$0x2], $0x21C0, $0x38;
	[tilespmem:$0xD6C0] =	vst v63  }
0x6d: {  	_ =	swait.ge [sflag:s18], $0x21C0  }
0x6e: {  	[sflag:s18] =	ssyncset.done $0x0  }
0x6f: {  	[sflag:s18] =	ssyncadd.s32 $0xFFFFDE40  }
0x70: {  	_ =	sfence.sel $0x180000  }
0x71: {  	[bflag:$0x0] =	sbarrier.arrive $0xFFFF  }
0x72: {  	p0 =	sne.s32 s2, $0x0;
	_ =	strace $0x9000004A  }
0x73: {  	s0 =	sadd.s32 @!p0 $0x100000, s0;
	[bflag:$0x2] =	sbarrier.arrive $0xFFFF  }
0x74: {  	[sflag:s0] =	ssyncadd.tile.s32 @!p0 $0x1;
	_ =	shalt  }
.Lfunc_end2:
_tile_overlayer_lowered:
.L_overlay_start_2:
0x75: {  	(tag) =	ssettag $0x2  }
0x76: {  	s0 =	rddreg [dreg:$0x0];
	s2 =	stileid.u32  }
0x77: {  	s1 =	rddreg [dreg:$0x1];
	p0 =	sne.s32 s2, $0x0  }
0x78: {  	s3 =	rddreg [dreg:$0x2];
	[bflag:$0x3] =	sbarrier.arrive $0xFFFF;
	s2 =	simm.s32 @!p0 $0x1C02  }
0x79: {  	[timem:s3], [sflag:s2] =	dma.local @!p0 [hbm:s0], s1  }
0x7a: {  	s0 =	simm.s32 @!p0 $0x2  }
0x7b: {  	_ =	swait.ge @!p0 [sflag:s0], s1  }
0x7c: {  	s1 =	ssub.s32 @!p0 $0x0, s1;
	[sflag:s0] =	ssyncset.done @!p0 $0x0  }
0x7d: {  	[sflag:s0] =	ssyncadd.s32 @!p0 s1  }
0x7e: {  	[bflag:$0x3] =	sbarrier.arrive $0xFFFF  }
0x7f: {  	_ =	shalt  }

</sc_bundles>
